<compile_context>
chip_gen: v7x
topology: tpu7x:2x2x1
jax: 0.10.2.dev20260603
libtpu: 0.0.44.dev20260713+nightly
codegen_flags: <defaults>
</compile_context>

<pallas_src>
import functools

import jax
import jax.numpy as jnp
from jax import lax
from jax.experimental import pallas as pl
from jax.experimental.pallas import tpu as pltpu
from jax.experimental.pallas import tpu_sc as plsc

PAD = 1
BATCH = 4
SEQ = 8192
DIM = 1024
TOK = BATCH * SEQ
NCORE = 2
NSUB = 16
PW = TOK // (NCORE * NSUB)
L = 16
K = 16
NCHUNK = PW // K
NBUF = 4

_mesh = plsc.VectorSubcoreMesh(core_axis_name="c", subcore_axis_name="s")


@functools.partial(
    pl.kernel,
    out_type=jax.ShapeDtypeStruct((TOK, DIM), jnp.float32),
    mesh=_mesh,
    scratch_types=[
        pltpu.VMEM((SEQ,), jnp.int32),
        pltpu.VMEM((NBUF, K, DIM), jnp.float32),
        pltpu.SemaphoreType.DMA((NBUF,)),
        pltpu.SemaphoreType.DMA((NBUF,)),
    ],
    compiler_params=pltpu.CompilerParams(needs_layout_passes=False),
)
def _emb_lookup(ids_hbm, w_hbm, out_hbm, ids_v, bufs, gsem, ssem):
    c = lax.axis_index("c")
    s = lax.axis_index("s")
    r = 2 * c + s // 8
    j = s % 8
    row0 = r * SEQ
    tok0 = row0 + j * PW

    pltpu.sync_copy(ids_hbm.at[pl.ds(row0, SEQ)], ids_v)

    ones = jnp.full((L,), 1, jnp.int32)
    zeros = jnp.full((L,), 0, jnp.int32)
    pads = jnp.full((L,), PAD, jnp.int32)

    def mask_at(off):
        return jnp.where(ids_v[pl.ds(off, L)] != pads, ones, zeros)

    def count_body(i, acc):
        return acc + mask_at(i * L)

    acc = lax.fori_loop(0, j * (PW // L), count_body, zeros)
    carry = jnp.sum(acc)

    def chunk_idx(ch, tot):
        m = mask_at(j * PW + ch * L)
        cs = plsc.cumsum(m)
        off_v = jnp.full((L,), tot, jnp.int32)
        return (cs + off_v) * m + ones, tot + jnp.sum(m)

    def g_start(ch, b, tot):
        idx, tot = chunk_idx(ch, tot)
        pltpu.async_copy(w_hbm.at[idx], bufs.at[b], gsem.at[b])
        return tot

    def g_wait(b):
        pltpu.make_async_copy(w_hbm.at[pl.ds(0, K)], bufs.at[b],
                              gsem.at[b]).wait()

    def s_desc(ch, b):
        return pltpu.make_async_copy(
            bufs.at[b], out_hbm.at[pl.ds(tok0 + ch * K, K)], ssem.at[b]
        )

    tot = carry
    for b in range(NBUF):
        tot = g_start(b, b, tot)

    def chunk_group(g, tot):
        base = g * NBUF
        for b in range(NBUF):
            g_wait(b)
            s_desc(base + b, b).start()
        for b in range(NBUF):
            s_desc(base + b, b).wait()
            tot = g_start(base + NBUF + b, b, tot)
        return tot

    lax.fori_loop(0, NCHUNK // NBUF - 1, chunk_group, tot)

    last = NCHUNK - NBUF
    for b in range(NBUF):
        g_wait(b)
        s_desc(last + b, b).start()
    for b in range(NBUF):
        s_desc(last + b, b).wait()


def kernel(input, weights):
    bsz, seq_len, _ = input.shape
    ids = input.reshape(-1).astype(jnp.int32)
    out = _emb_lookup(ids, weights)
    return out.reshape(bsz, seq_len, DIM)

# --- scband reference (transcript-rebuilt; emitter-appended) ---
"""Pipeline reference for scband-sinusoidal-positional-embedding-23587960389780 (READ-ONLY COPY).

The authoritative reference and input builder live on the scoring server;
editing this copy changes nothing except your own understanding.
"""

import jax, jax.numpy as jnp
import numpy as np
import math

EMBEDDING_DIM = 1024
PADDING_IDX = 1
INIT_SIZE = 16384


def get_embedding(num_embeddings, embedding_dim, padding_idx=None):
    half_dim = embedding_dim // 2
    emb = math.log(10000) / (half_dim - 1)
    emb = jnp.exp(jnp.arange(half_dim, dtype=jnp.float32) * -emb)
    emb = jnp.arange(num_embeddings, dtype=jnp.float32)[:, None] * emb[None, :]
    emb = jnp.concatenate([jnp.sin(emb), jnp.cos(emb)], axis=1).reshape(num_embeddings, -1)
    if embedding_dim % 2 == 1:
        emb = jnp.concatenate([emb, jnp.zeros((num_embeddings, 1), dtype=jnp.float32)], axis=1)
    if padding_idx is not None:
        emb = emb.at[padding_idx, :].set(0.0)
    return emb


def setup_inputs(seed: int = 0):
    key = jax.random.key(seed)
    k1, _ = jax.random.split(key)
    inp = jax.random.randint(k1, (4, 8192, 1), 0, 30000, dtype=jnp.int64)
    weights = get_embedding(INIT_SIZE, EMBEDDING_DIM, PADDING_IDX)
    return {"input": inp, "weights": weights}


def make_positions(tensor, padding_idx):
    mask = (tensor != padding_idx).astype(jnp.int32)
    return (jnp.cumsum(mask, axis=1).astype(jnp.int32) * mask).astype(jnp.int64) + padding_idx


def reference(input, weights):
    bsz, seq_len, _ = input.shape
    positions = make_positions(input, PADDING_IDX)
    out = jnp.take(weights, positions.reshape(-1), axis=0).reshape(bsz, seq_len, -1)
    return out

if __name__ == "__main__":
    import jax
    _d = setup_inputs()
    print(jax.jit(kernel)(*tuple(_d.values())))

</pallas_src>

<mosaic_0001>
#map = affine_map<(d0, d1) -> (0)>
#map1 = affine_map<(d0, d1) -> (0, 0)>
module attributes {stable_mosaic.version = 14 : i64} {
  func.func @_emb_lookup(%arg0: i32, %arg1: i32, %arg2: memref<32768xi32, #tpu.memory_space<hbm>>, %arg3: memref<16384x1024xf32, #tpu.memory_space<hbm>>, %arg4: memref<32768x1024xf32, #tpu.memory_space<hbm>>, %arg5: memref<8192xi32, #tpu.memory_space<vmem>>, %arg6: memref<4x16x1024xf32, #tpu.memory_space<vmem>>, %arg7: memref<4x!tpu.dma_semaphore, #tpu.memory_space<semaphore_mem>>, %arg8: memref<4x!tpu.dma_semaphore, #tpu.memory_space<semaphore_mem>>) attributes {dimension_semantics = [#tpu.dimension_semantics<core_parallel>, #tpu.dimension_semantics<subcore_parallel>], iteration_bounds = array<i64: 2, 16>, scalar_prefetch = 0 : i64, scratch_operands = 4 : i64, tpu.core_type = #tpu.core_type<sc_vector_subcore>, window_params = [{transform_indices = #map}, {transform_indices = #map1}, {transform_indices = #map1}]} {
    %mul3A = arith.constant 2 : i32
    %mul3A_0 = arith.muli %mul3A, %arg0 : i32
    %jit3A = arith.constant 8 : i32
    %div3A = arith.divsi %arg1, %jit3A : i32
    %sign3A = arith.constant 0 : i32
    %sign3A_1 = arith.cmpi sgt, %arg1, %sign3A : i32
    %sign3A_2 = arith.extui %sign3A_1 : i1 to i32
    %sign3A_3 = arith.constant 0 : i32
    %sign3A_4 = arith.cmpi slt, %arg1, %sign3A_3 : i32
    %sign3A_5 = arith.extui %sign3A_4 : i1 to i32
    %sign3A_6 = arith.subi %sign3A_2, %sign3A_5 : i32
    %sign3A_7 = arith.constant 0 : i32
    %sign3A_8 = arith.cmpi sgt, %jit3A, %sign3A_7 : i32
    %sign3A_9 = arith.extui %sign3A_8 : i1 to i32
    %sign3A_10 = arith.constant 0 : i32
    %sign3A_11 = arith.cmpi slt, %jit3A, %sign3A_10 : i32
    %sign3A_12 = arith.extui %sign3A_11 : i1 to i32
    %sign3A_13 = arith.subi %sign3A_9, %sign3A_12 : i32
    %ne3A = arith.cmpi ne, %sign3A_6, %sign3A_13 : i32
    %rem3A = arith.remsi %arg1, %jit3A : i32
    %ne3A_14 = arith.constant 0 : i32
    %ne3A_15 = arith.cmpi ne, %rem3A, %ne3A_14 : i32
    %and3A = arith.andi %ne3A, %ne3A_15 : i1
    %sub3A = arith.constant 1 : i32
    %sub3A_16 = arith.subi %div3A, %sub3A : i32
    %select_n3A = arith.select %and3A, %sub3A_16, %div3A : i32
    %add3A = arith.addi %mul3A_0, %select_n3A : i32
    %jit3A_17 = arith.constant 8 : i32
    %eq3A = arith.constant 0 : i32
    %eq3A_18 = arith.cmpi eq, %jit3A_17, %eq3A : i32
    %jit3A_19 = arith.constant 1 : i32
    %select_n3A_20 = arith.select %eq3A_18, %jit3A_19, %jit3A_17 : i32
    %rem3A_21 = arith.remsi %arg1, %select_n3A_20 : i32
    %ne3A_22 = arith.constant 0 : i32
    %ne3A_23 = arith.cmpi ne, %rem3A_21, %ne3A_22 : i32
    %lt3A = arith.constant 0 : i32
    %lt3A_24 = arith.cmpi slt, %rem3A_21, %lt3A : i32
    %lt3A_25 = arith.constant 0 : i32
    %lt3A_26 = arith.cmpi slt, %select_n3A_20, %lt3A_25 : i32
    %ne3A_27 = arith.xori %lt3A_24, %lt3A_26 : i1
    %and3A_28 = arith.andi %ne3A_27, %ne3A_23 : i1
    %add3A_29 = arith.addi %rem3A_21, %select_n3A_20 : i32
    %select_n3A_30 = arith.select %and3A_28, %add3A_29, %rem3A_21 : i32
    %mul3A_31 = arith.constant 8192 : i32
    %mul3A_32 = arith.muli %add3A, %mul3A_31 : i32
    %mul3A_33 = arith.constant 1024 : i32
    %mul3A_34 = arith.muli %select_n3A_30, %mul3A_33 : i32
    %add3A_35 = arith.addi %mul3A_32, %mul3A_34 : i32
    "tpu.region"() ({
      %run_scoped3A = tpu.sem_alloc : memref<!tpu.dma_semaphore, #tpu.memory_space<semaphore_mem>>
      %dma_start3A_397 = tpu.memref_slice %arg2[%mul3A_32] : memref<32768xi32, #tpu.memory_space<hbm>> -> memref<8192xi32, #tpu.memory_space<hbm>>
      %dma_start3A_398 = tpu.memref_slice %arg2[%mul3A_32] : memref<32768xi32, #tpu.memory_space<hbm>> -> memref<8192xi32, #tpu.memory_space<hbm>>
      tpu.enqueue_dma source(%dma_start3A_398 : memref<8192xi32, #tpu.memory_space<hbm>>) target(%arg5 : memref<8192xi32, #tpu.memory_space<vmem>>) target_semaphore(%run_scoped3A : memref<!tpu.dma_semaphore, #tpu.memory_space<semaphore_mem>>)
      %dma_wait3A_399 = tpu.memref_slice %arg2[%mul3A_32] : memref<32768xi32, #tpu.memory_space<hbm>> -> memref<8192xi32, #tpu.memory_space<hbm>>
      %dma_wait3A_400 = tpu.memref_slice %arg2[%mul3A_32] : memref<32768xi32, #tpu.memory_space<hbm>> -> memref<8192xi32, #tpu.memory_space<hbm>>
      tpu.wait_dma2 semaphore(%run_scoped3A : memref<!tpu.dma_semaphore, #tpu.memory_space<semaphore_mem>>) src(%dma_wait3A_400 : memref<8192xi32, #tpu.memory_space<hbm>>) dst(%arg5 : memref<8192xi32, #tpu.memory_space<vmem>>)
      tpu.yield
    }) : () -> ()
    %broadcast_in_dim3A = arith.constant 1 : i32
    %broadcast_in_dim3A_36 = vector.broadcast %broadcast_in_dim3A : i32 to vector<16xi32>
    %broadcast_in_dim3A_37 = arith.constant 0 : i32
    %broadcast_in_dim3A_38 = vector.broadcast %broadcast_in_dim3A_37 : i32 to vector<16xi32>
    %broadcast_in_dim3A_39 = arith.constant 1 : i32
    %broadcast_in_dim3A_40 = vector.broadcast %broadcast_in_dim3A_39 : i32 to vector<16xi32>
    %mul3A_41 = arith.constant 64 : i32
    %mul3A_42 = arith.muli %select_n3A_30, %mul3A_41 : i32
    %while3A = arith.constant 0 : i32
    %while3A_43 = arith.subi %mul3A_42, %while3A : i32
    %while3A_44 = arith.addi %while3A, %while3A_43 : i32
    %while3A_45 = arith.constant 1 : i32
    %while3A_46 = arith.divsi %while3A_43, %while3A_45 : i32
    %while3A_47 = arith.muli %while3A_46, %while3A_45 : i32
    %while3A_48 = arith.addi %while3A, %while3A_47 : i32
    %while3A_49 = arith.constant 1 : i32
    %while3A_50 = scf.for %while3A_397 = %while3A to %while3A_48 step %while3A_49 iter_args(%while3A_398 = %broadcast_in_dim3A_38) -> (vector<16xi32>)  : i32 {
      %mul3A_399 = arith.constant 16 : i32
      %mul3A_400 = arith.muli %while3A_397, %mul3A_399 : i32
      %get3A_401 = arith.index_cast %mul3A_400 : i32 to index
      %get3A_402 = tpu.vector_load %arg5[%get3A_401] {strides = array<i32>} : memref<8192xi32, #tpu.memory_space<vmem>>, vector<16xi32>,
      %ne3A_403 = arith.cmpi ne, %get3A_402, %broadcast_in_dim3A_40 : vector<16xi32>
      %select_n3A_404 = arith.select %ne3A_403, %broadcast_in_dim3A_36, %broadcast_in_dim3A_38 : vector<16xi1>, vector<16xi32>
      %add3A_405 = arith.addi %while3A_398, %select_n3A_404 : vector<16xi32>
      scf.yield %add3A_405 : vector<16xi32>
    }
    %while3A_51 = arith.constant 1 : i32
    %while3A_52 = scf.for %while3A_397 = %while3A_48 to %while3A_44 step %while3A_51 iter_args(%while3A_398 = %while3A_50) -> (vector<16xi32>)  : i32 {
      %mul3A_399 = arith.constant 16 : i32
      %mul3A_400 = arith.muli %while3A_397, %mul3A_399 : i32
      %get3A_401 = arith.index_cast %mul3A_400 : i32 to index
      %get3A_402 = tpu.vector_load %arg5[%get3A_401] {strides = array<i32>} : memref<8192xi32, #tpu.memory_space<vmem>>, vector<16xi32>,
      %ne3A_403 = arith.cmpi ne, %get3A_402, %broadcast_in_dim3A_40 : vector<16xi32>
      %select_n3A_404 = arith.select %ne3A_403, %broadcast_in_dim3A_36, %broadcast_in_dim3A_38 : vector<16xi1>, vector<16xi32>
      %add3A_405 = arith.addi %while3A_398, %select_n3A_404 : vector<16xi32>
      scf.yield %add3A_405 : vector<16xi32>
    }
    %reduce_sum3A = arith.constant true
    %reduce_sum3A_53 = vector.broadcast %reduce_sum3A : i1 to vector<16xi1>
    %reduce_sum3A_54 = tpu.scan <sum>, %while3A_52 masked %reduce_sum3A_53 : vector<16xi32>, vector<16xi1> -> vector<16xi32>
    %reduce_sum3A_55 = vector.extract %reduce_sum3A_54[15] : i32 from vector<16xi32>
    %mul3A_56 = arith.constant 1024 : i32
    %mul3A_57 = arith.muli %select_n3A_30, %mul3A_56 : i32
    %add3A_58 = arith.constant 0 : i32
    %add3A_59 = arith.addi %mul3A_57, %add3A_58 : i32
    %get3A = arith.index_cast %add3A_59 : i32 to index
    %get3A_60 = tpu.vector_load %arg5[%get3A] {strides = array<i32>} : memref<8192xi32, #tpu.memory_space<vmem>>, vector<16xi32>,
    %ne3A_61 = arith.cmpi ne, %get3A_60, %broadcast_in_dim3A_40 : vector<16xi32>
    %select_n3A_62 = arith.select %ne3A_61, %broadcast_in_dim3A_36, %broadcast_in_dim3A_38 : vector<16xi1>, vector<16xi32>
    %broadcast_in_dim3A_63 = arith.constant true
    %broadcast_in_dim3A_64 = vector.broadcast %broadcast_in_dim3A_63 : i1 to vector<16xi1>
    %masked_cumsum3A = tpu.scan <sum>, %select_n3A_62 masked %broadcast_in_dim3A_64 : vector<16xi32>, vector<16xi1> -> vector<16xi32>
    %broadcast_in_dim3A_65 = vector.broadcast %reduce_sum3A_55 : i32 to vector<16xi32>
    %add3A_66 = arith.addi %masked_cumsum3A, %broadcast_in_dim3A_65 : vector<16xi32>
    %mul3A_67 = arith.muli %add3A_66, %select_n3A_62 : vector<16xi32>
    %add3A_68 = arith.addi %mul3A_67, %broadcast_in_dim3A_36 : vector<16xi32>
    %reduce_sum3A_69 = arith.constant true
    %reduce_sum3A_70 = vector.broadcast %reduce_sum3A_69 : i1 to vector<16xi1>
    %reduce_sum3A_71 = tpu.scan <sum>, %select_n3A_62 masked %reduce_sum3A_70 : vector<16xi32>, vector<16xi1> -> vector<16xi32>
    %reduce_sum3A_72 = vector.extract %reduce_sum3A_71[15] : i32 from vector<16xi32>
    %add3A_73 = arith.addi %reduce_sum3A_55, %reduce_sum3A_72 : i32
    %dma_start3A = arith.constant 0 : i32
    %dma_start3A_74 = arith.constant 0 : i32
    %dma_start3A_75 = arith.constant 0 : i32
    %dma_start3A_76 = arith.constant 0 : i32
    %dma_start3A_77 = tpu.memref_slice %arg6[%dma_start3A, %dma_start3A_75, %dma_start3A_76] : memref<4x16x1024xf32, #tpu.memory_space<vmem>> -> memref<1x16x1024xf32, #tpu.memory_space<vmem>>
    %dma_start3A_78 = tpu.memref_squeeze %dma_start3A_77 : memref<1x16x1024xf32, #tpu.memory_space<vmem>> -> memref<16x1024xf32, #tpu.memory_space<vmem>>
    %dma_start3A_79 = arith.constant 0 : i32
    %dma_start3A_80 = arith.constant 0 : i32
    %dma_start3A_81 = tpu.memref_slice %arg3[%dma_start3A_79, %dma_start3A_80] : memref<16384x1024xf32, #tpu.memory_space<hbm>> -> memref<16384x1024xf32, #tpu.memory_space<hbm>>
    %dma_start3A_82 = tpu.memref_slice %arg7[%dma_start3A_74] : memref<4x!tpu.dma_semaphore, #tpu.memory_space<semaphore_mem>> -> memref<1x!tpu.dma_semaphore, #tpu.memory_space<semaphore_mem>>
    %dma_start3A_83 = tpu.memref_squeeze %dma_start3A_82 : memref<1x!tpu.dma_semaphore, #tpu.memory_space<semaphore_mem>> -> memref<!tpu.dma_semaphore, #tpu.memory_space<semaphore_mem>>
    tpu.enqueue_indirect_dma source(%dma_start3A_81 : memref<16384x1024xf32, #tpu.memory_space<hbm>>) target(%dma_start3A_78 : memref<16x1024xf32, #tpu.memory_space<vmem>>) offsets(%add3A_68 : vector<16xi32>) semaphore(%dma_start3A_83 : memref<!tpu.dma_semaphore, #tpu.memory_space<semaphore_mem>>)
    %mul3A_84 = arith.constant 1024 : i32
    %mul3A_85 = arith.muli %select_n3A_30, %mul3A_84 : i32
    %add3A_86 = arith.constant 16 : i32
    %add3A_87 = arith.addi %mul3A_85, %add3A_86 : i32
    %get3A_88 = arith.index_cast %add3A_87 : i32 to index
    %get3A_89 = tpu.vector_load %arg5[%get3A_88] {strides = array<i32>} : memref<8192xi32, #tpu.memory_space<vmem>>, vector<16xi32>,
    %ne3A_90 = arith.cmpi ne, %get3A_89, %broadcast_in_dim3A_40 : vector<16xi32>
    %select_n3A_91 = arith.select %ne3A_90, %broadcast_in_dim3A_36, %broadcast_in_dim3A_38 : vector<16xi1>, vector<16xi32>
    %broadcast_in_dim3A_92 = arith.constant true
    %broadcast_in_dim3A_93 = vector.broadcast %broadcast_in_dim3A_92 : i1 to vector<16xi1>
    %masked_cumsum3A_94 = tpu.scan <sum>, %select_n3A_91 masked %broadcast_in_dim3A_93 : vector<16xi32>, vector<16xi1> -> vector<16xi32>
    %broadcast_in_dim3A_95 = vector.broadcast %add3A_73 : i32 to vector<16xi32>
    %add3A_96 = arith.addi %masked_cumsum3A_94, %broadcast_in_dim3A_95 : vector<16xi32>
    %mul3A_97 = arith.muli %add3A_96, %select_n3A_91 : vector<16xi32>
    %add3A_98 = arith.addi %mul3A_97, %broadcast_in_dim3A_36 : vector<16xi32>
    %reduce_sum3A_99 = arith.constant true
    %reduce_sum3A_100 = vector.broadcast %reduce_sum3A_99 : i1 to vector<16xi1>
    %reduce_sum3A_101 = tpu.scan <sum>, %select_n3A_91 masked %reduce_sum3A_100 : vector<16xi32>, vector<16xi1> -> vector<16xi32>
    %reduce_sum3A_102 = vector.extract %reduce_sum3A_101[15] : i32 from vector<16xi32>
    %add3A_103 = arith.addi %add3A_73, %reduce_sum3A_102 : i32
    %dma_start3A_104 = arith.constant 1 : i32
    %dma_start3A_105 = arith.constant 1 : i32
    %dma_start3A_106 = arith.constant 0 : i32
    %dma_start3A_107 = arith.constant 0 : i32
    %dma_start3A_108 = tpu.memref_slice %arg6[%dma_start3A_104, %dma_start3A_106, %dma_start3A_107] : memref<4x16x1024xf32, #tpu.memory_space<vmem>> -> memref<1x16x1024xf32, #tpu.memory_space<vmem>>
    %dma_start3A_109 = tpu.memref_squeeze %dma_start3A_108 : memref<1x16x1024xf32, #tpu.memory_space<vmem>> -> memref<16x1024xf32, #tpu.memory_space<vmem>>
    %dma_start3A_110 = arith.constant 0 : i32
    %dma_start3A_111 = arith.constant 0 : i32
    %dma_start3A_112 = tpu.memref_slice %arg3[%dma_start3A_110, %dma_start3A_111] : memref<16384x1024xf32, #tpu.memory_space<hbm>> -> memref<16384x1024xf32, #tpu.memory_space<hbm>>
    %dma_start3A_113 = tpu.memref_slice %arg7[%dma_start3A_105] : memref<4x!tpu.dma_semaphore, #tpu.memory_space<semaphore_mem>> -> memref<1x!tpu.dma_semaphore, #tpu.memory_space<semaphore_mem>>
    %dma_start3A_114 = tpu.memref_squeeze %dma_start3A_113 : memref<1x!tpu.dma_semaphore, #tpu.memory_space<semaphore_mem>> -> memref<!tpu.dma_semaphore, #tpu.memory_space<semaphore_mem>>
    tpu.enqueue_indirect_dma source(%dma_start3A_112 : memref<16384x1024xf32, #tpu.memory_space<hbm>>) target(%dma_start3A_109 : memref<16x1024xf32, #tpu.memory_space<vmem>>) offsets(%add3A_98 : vector<16xi32>) semaphore(%dma_start3A_114 : memref<!tpu.dma_semaphore, #tpu.memory_space<semaphore_mem>>)
    %mul3A_115 = arith.constant 1024 : i32
    %mul3A_116 = arith.muli %select_n3A_30, %mul3A_115 : i32
    %add3A_117 = arith.constant 32 : i32
    %add3A_118 = arith.addi %mul3A_116, %add3A_117 : i32
    %get3A_119 = arith.index_cast %add3A_118 : i32 to index
    %get3A_120 = tpu.vector_load %arg5[%get3A_119] {strides = array<i32>} : memref<8192xi32, #tpu.memory_space<vmem>>, vector<16xi32>,
    %ne3A_121 = arith.cmpi ne, %get3A_120, %broadcast_in_dim3A_40 : vector<16xi32>
    %select_n3A_122 = arith.select %ne3A_121, %broadcast_in_dim3A_36, %broadcast_in_dim3A_38 : vector<16xi1>, vector<16xi32>
    %broadcast_in_dim3A_123 = arith.constant true
    %broadcast_in_dim3A_124 = vector.broadcast %broadcast_in_dim3A_123 : i1 to vector<16xi1>
    %masked_cumsum3A_125 = tpu.scan <sum>, %select_n3A_122 masked %broadcast_in_dim3A_124 : vector<16xi32>, vector<16xi1> -> vector<16xi32>
    %broadcast_in_dim3A_126 = vector.broadcast %add3A_103 : i32 to vector<16xi32>
    %add3A_127 = arith.addi %masked_cumsum3A_125, %broadcast_in_dim3A_126 : vector<16xi32>
    %mul3A_128 = arith.muli %add3A_127, %select_n3A_122 : vector<16xi32>
    %add3A_129 = arith.addi %mul3A_128, %broadcast_in_dim3A_36 : vector<16xi32>
    %reduce_sum3A_130 = arith.constant true
    %reduce_sum3A_131 = vector.broadcast %reduce_sum3A_130 : i1 to vector<16xi1>
    %reduce_sum3A_132 = tpu.scan <sum>, %select_n3A_122 masked %reduce_sum3A_131 : vector<16xi32>, vector<16xi1> -> vector<16xi32>
    %reduce_sum3A_133 = vector.extract %reduce_sum3A_132[15] : i32 from vector<16xi32>
    %add3A_134 = arith.addi %add3A_103, %reduce_sum3A_133 : i32
    %dma_start3A_135 = arith.constant 2 : i32
    %dma_start3A_136 = arith.constant 2 : i32
    %dma_start3A_137 = arith.constant 0 : i32
    %dma_start3A_138 = arith.constant 0 : i32
    %dma_start3A_139 = tpu.memref_slice %arg6[%dma_start3A_135, %dma_start3A_137, %dma_start3A_138] : memref<4x16x1024xf32, #tpu.memory_space<vmem>> -> memref<1x16x1024xf32, #tpu.memory_space<vmem>>
    %dma_start3A_140 = tpu.memref_squeeze %dma_start3A_139 : memref<1x16x1024xf32, #tpu.memory_space<vmem>> -> memref<16x1024xf32, #tpu.memory_space<vmem>>
    %dma_start3A_141 = arith.constant 0 : i32
    %dma_start3A_142 = arith.constant 0 : i32
    %dma_start3A_143 = tpu.memref_slice %arg3[%dma_start3A_141, %dma_start3A_142] : memref<16384x1024xf32, #tpu.memory_space<hbm>> -> memref<16384x1024xf32, #tpu.memory_space<hbm>>
    %dma_start3A_144 = tpu.memref_slice %arg7[%dma_start3A_136] : memref<4x!tpu.dma_semaphore, #tpu.memory_space<semaphore_mem>> -> memref<1x!tpu.dma_semaphore, #tpu.memory_space<semaphore_mem>>
    %dma_start3A_145 = tpu.memref_squeeze %dma_start3A_144 : memref<1x!tpu.dma_semaphore, #tpu.memory_space<semaphore_mem>> -> memref<!tpu.dma_semaphore, #tpu.memory_space<semaphore_mem>>
    tpu.enqueue_indirect_dma source(%dma_start3A_143 : memref<16384x1024xf32, #tpu.memory_space<hbm>>) target(%dma_start3A_140 : memref<16x1024xf32, #tpu.memory_space<vmem>>) offsets(%add3A_129 : vector<16xi32>) semaphore(%dma_start3A_145 : memref<!tpu.dma_semaphore, #tpu.memory_space<semaphore_mem>>)
    %mul3A_146 = arith.constant 1024 : i32
    %mul3A_147 = arith.muli %select_n3A_30, %mul3A_146 : i32
    %add3A_148 = arith.constant 48 : i32
    %add3A_149 = arith.addi %mul3A_147, %add3A_148 : i32
    %get3A_150 = arith.index_cast %add3A_149 : i32 to index
    %get3A_151 = tpu.vector_load %arg5[%get3A_150] {strides = array<i32>} : memref<8192xi32, #tpu.memory_space<vmem>>, vector<16xi32>,
    %ne3A_152 = arith.cmpi ne, %get3A_151, %broadcast_in_dim3A_40 : vector<16xi32>
    %select_n3A_153 = arith.select %ne3A_152, %broadcast_in_dim3A_36, %broadcast_in_dim3A_38 : vector<16xi1>, vector<16xi32>
    %broadcast_in_dim3A_154 = arith.constant true
    %broadcast_in_dim3A_155 = vector.broadcast %broadcast_in_dim3A_154 : i1 to vector<16xi1>
    %masked_cumsum3A_156 = tpu.scan <sum>, %select_n3A_153 masked %broadcast_in_dim3A_155 : vector<16xi32>, vector<16xi1> -> vector<16xi32>
    %broadcast_in_dim3A_157 = vector.broadcast %add3A_134 : i32 to vector<16xi32>
    %add3A_158 = arith.addi %masked_cumsum3A_156, %broadcast_in_dim3A_157 : vector<16xi32>
    %mul3A_159 = arith.muli %add3A_158, %select_n3A_153 : vector<16xi32>
    %add3A_160 = arith.addi %mul3A_159, %broadcast_in_dim3A_36 : vector<16xi32>
    %reduce_sum3A_161 = arith.constant true
    %reduce_sum3A_162 = vector.broadcast %reduce_sum3A_161 : i1 to vector<16xi1>
    %reduce_sum3A_163 = tpu.scan <sum>, %select_n3A_153 masked %reduce_sum3A_162 : vector<16xi32>, vector<16xi1> -> vector<16xi32>
    %reduce_sum3A_164 = vector.extract %reduce_sum3A_163[15] : i32 from vector<16xi32>
    %add3A_165 = arith.addi %add3A_134, %reduce_sum3A_164 : i32
    %dma_start3A_166 = arith.constant 3 : i32
    %dma_start3A_167 = arith.constant 3 : i32
    %dma_start3A_168 = arith.constant 0 : i32
    %dma_start3A_169 = arith.constant 0 : i32
    %dma_start3A_170 = tpu.memref_slice %arg6[%dma_start3A_166, %dma_start3A_168, %dma_start3A_169] : memref<4x16x1024xf32, #tpu.memory_space<vmem>> -> memref<1x16x1024xf32, #tpu.memory_space<vmem>>
    %dma_start3A_171 = tpu.memref_squeeze %dma_start3A_170 : memref<1x16x1024xf32, #tpu.memory_space<vmem>> -> memref<16x1024xf32, #tpu.memory_space<vmem>>
    %dma_start3A_172 = arith.constant 0 : i32
    %dma_start3A_173 = arith.constant 0 : i32
    %dma_start3A_174 = tpu.memref_slice %arg3[%dma_start3A_172, %dma_start3A_173] : memref<16384x1024xf32, #tpu.memory_space<hbm>> -> memref<16384x1024xf32, #tpu.memory_space<hbm>>
    %dma_start3A_175 = tpu.memref_slice %arg7[%dma_start3A_167] : memref<4x!tpu.dma_semaphore, #tpu.memory_space<semaphore_mem>> -> memref<1x!tpu.dma_semaphore, #tpu.memory_space<semaphore_mem>>
    %dma_start3A_176 = tpu.memref_squeeze %dma_start3A_175 : memref<1x!tpu.dma_semaphore, #tpu.memory_space<semaphore_mem>> -> memref<!tpu.dma_semaphore, #tpu.memory_space<semaphore_mem>>
    tpu.enqueue_indirect_dma source(%dma_start3A_174 : memref<16384x1024xf32, #tpu.memory_space<hbm>>) target(%dma_start3A_171 : memref<16x1024xf32, #tpu.memory_space<vmem>>) offsets(%add3A_160 : vector<16xi32>) semaphore(%dma_start3A_176 : memref<!tpu.dma_semaphore, #tpu.memory_space<semaphore_mem>>)
    %scan3A = arith.constant 0 : i32
    %scan3A_177 = arith.constant 15 : i32
    %scan3A_178 = arith.addi %scan3A, %scan3A_177 : i32
    %scan3A_179 = arith.constant 1 : i32
    %scan3A_180 = scf.for %scan3A_397 = %scan3A to %scan3A_178 step %scan3A_179 iter_args(%scan3A_398 = %add3A_165) -> (i32)  : i32 {
      %mul3A_399 = arith.constant 4 : i32
      %mul3A_400 = arith.muli %scan3A_397, %mul3A_399 : i32
      %dma_wait3A_401 = arith.constant 0 : i32
      %dma_wait3A_402 = arith.constant 0 : i32
      %dma_wait3A_403 = arith.constant 0 : i32
      %dma_wait3A_404 = arith.constant 0 : i32
      %dma_wait3A_405 = tpu.memref_slice %arg6[%dma_wait3A_401, %dma_wait3A_403, %dma_wait3A_404] : memref<4x16x1024xf32, #tpu.memory_space<vmem>> -> memref<1x16x1024xf32, #tpu.memory_space<vmem>>
      %dma_wait3A_406 = tpu.memref_squeeze %dma_wait3A_405 : memref<1x16x1024xf32, #tpu.memory_space<vmem>> -> memref<16x1024xf32, #tpu.memory_space<vmem>>
      %dma_wait3A_407 = arith.constant 0 : i32
      %dma_wait3A_408 = arith.constant 0 : i32
      %dma_wait3A_409 = tpu.memref_slice %arg3[%dma_wait3A_407, %dma_wait3A_408] : memref<16384x1024xf32, #tpu.memory_space<hbm>> -> memref<16x1024xf32, #tpu.memory_space<hbm>>
      %dma_wait3A_410 = tpu.memref_slice %arg7[%dma_wait3A_402] : memref<4x!tpu.dma_semaphore, #tpu.memory_space<semaphore_mem>> -> memref<1x!tpu.dma_semaphore, #tpu.memory_space<semaphore_mem>>
      %dma_wait3A_411 = tpu.memref_squeeze %dma_wait3A_410 : memref<1x!tpu.dma_semaphore, #tpu.memory_space<semaphore_mem>> -> memref<!tpu.dma_semaphore, #tpu.memory_space<semaphore_mem>>
      %dma_wait3A_412 = arith.constant 0 : i32
      %dma_wait3A_413 = arith.constant 0 : i32
      %dma_wait3A_414 = tpu.memref_slice %arg6[%dma_wait3A_401, %dma_wait3A_412, %dma_wait3A_413] : memref<4x16x1024xf32, #tpu.memory_space<vmem>> -> memref<1x16x1024xf32, #tpu.memory_space<vmem>>
      %dma_wait3A_415 = tpu.memref_squeeze %dma_wait3A_414 : memref<1x16x1024xf32, #tpu.memory_space<vmem>> -> memref<16x1024xf32, #tpu.memory_space<vmem>>
      %dma_wait3A_416 = arith.constant 0 : i32
      %dma_wait3A_417 = arith.constant 0 : i32
      %dma_wait3A_418 = tpu.memref_slice %arg3[%dma_wait3A_416, %dma_wait3A_417] : memref<16384x1024xf32, #tpu.memory_space<hbm>> -> memref<16x1024xf32, #tpu.memory_space<hbm>>
      tpu.wait_dma2 semaphore(%dma_wait3A_411 : memref<!tpu.dma_semaphore, #tpu.memory_space<semaphore_mem>>) src(%dma_wait3A_418 : memref<16x1024xf32, #tpu.memory_space<hbm>>) dst(%dma_wait3A_415 : memref<16x1024xf32, #tpu.memory_space<vmem>>)
      %add3A_419 = arith.constant 0 : i32
      %add3A_420 = arith.addi %mul3A_400, %add3A_419 : i32
      %mul3A_421 = arith.constant 16 : i32
      %mul3A_422 = arith.muli %add3A_420, %mul3A_421 : i32
      %add3A_423 = arith.addi %add3A_35, %mul3A_422 : i32
      %dma_start3A_424 = arith.constant 0 : i32
      %dma_start3A_425 = arith.constant 0 : i32
      %dma_start3A_426 = arith.constant 0 : i32
      %dma_start3A_427 = arith.constant 0 : i32
      %dma_start3A_428 = tpu.memref_slice %arg6[%dma_start3A_424, %dma_start3A_426, %dma_start3A_427] : memref<4x16x1024xf32, #tpu.memory_space<vmem>> -> memref<1x16x1024xf32, #tpu.memory_space<vmem>>
      %dma_start3A_429 = tpu.memref_squeeze %dma_start3A_428 : memref<1x16x1024xf32, #tpu.memory_space<vmem>> -> memref<16x1024xf32, #tpu.memory_space<vmem>>
      %dma_start3A_430 = arith.constant 0 : i32
      %dma_start3A_431 = tpu.memref_slice %arg4[%add3A_423, %dma_start3A_430] : memref<32768x1024xf32, #tpu.memory_space<hbm>> -> memref<16x1024xf32, #tpu.memory_space<hbm>>
      %dma_start3A_432 = tpu.memref_slice %arg8[%dma_start3A_425] : memref<4x!tpu.dma_semaphore, #tpu.memory_space<semaphore_mem>> -> memref<1x!tpu.dma_semaphore, #tpu.memory_space<semaphore_mem>>
      %dma_start3A_433 = tpu.memref_squeeze %dma_start3A_432 : memref<1x!tpu.dma_semaphore, #tpu.memory_space<semaphore_mem>> -> memref<!tpu.dma_semaphore, #tpu.memory_space<semaphore_mem>>
      %dma_start3A_434 = arith.constant 0 : i32
      %dma_start3A_435 = tpu.memref_slice %arg4[%add3A_423, %dma_start3A_434] : memref<32768x1024xf32, #tpu.memory_space<hbm>> -> memref<16x1024xf32, #tpu.memory_space<hbm>>
      %dma_start3A_436 = arith.constant 0 : i32
      %dma_start3A_437 = arith.constant 0 : i32
      %dma_start3A_438 = tpu.memref_slice %arg6[%dma_start3A_424, %dma_start3A_436, %dma_start3A_437] : memref<4x16x1024xf32, #tpu.memory_space<vmem>> -> memref<1x16x1024xf32, #tpu.memory_space<vmem>>
      %dma_start3A_439 = tpu.memref_squeeze %dma_start3A_438 : memref<1x16x1024xf32, #tpu.memory_space<vmem>> -> memref<16x1024xf32, #tpu.memory_space<vmem>>
      tpu.enqueue_dma source(%dma_start3A_439 : memref<16x1024xf32, #tpu.memory_space<vmem>>) target(%dma_start3A_435 : memref<16x1024xf32, #tpu.memory_space<hbm>>) target_semaphore(%dma_start3A_433 : memref<!tpu.dma_semaphore, #tpu.memory_space<semaphore_mem>>)
      %dma_wait3A_440 = arith.constant 1 : i32
      %dma_wait3A_441 = arith.constant 1 : i32
      %dma_wait3A_442 = arith.constant 0 : i32
      %dma_wait3A_443 = arith.constant 0 : i32
      %dma_wait3A_444 = tpu.memref_slice %arg6[%dma_wait3A_440, %dma_wait3A_442, %dma_wait3A_443] : memref<4x16x1024xf32, #tpu.memory_space<vmem>> -> memref<1x16x1024xf32, #tpu.memory_space<vmem>>
      %dma_wait3A_445 = tpu.memref_squeeze %dma_wait3A_444 : memref<1x16x1024xf32, #tpu.memory_space<vmem>> -> memref<16x1024xf32, #tpu.memory_space<vmem>>
      %dma_wait3A_446 = arith.constant 0 : i32
      %dma_wait3A_447 = arith.constant 0 : i32
      %dma_wait3A_448 = tpu.memref_slice %arg3[%dma_wait3A_446, %dma_wait3A_447] : memref<16384x1024xf32, #tpu.memory_space<hbm>> -> memref<16x1024xf32, #tpu.memory_space<hbm>>
      %dma_wait3A_449 = tpu.memref_slice %arg7[%dma_wait3A_441] : memref<4x!tpu.dma_semaphore, #tpu.memory_space<semaphore_mem>> -> memref<1x!tpu.dma_semaphore, #tpu.memory_space<semaphore_mem>>
      %dma_wait3A_450 = tpu.memref_squeeze %dma_wait3A_449 : memref<1x!tpu.dma_semaphore, #tpu.memory_space<semaphore_mem>> -> memref<!tpu.dma_semaphore, #tpu.memory_space<semaphore_mem>>
      %dma_wait3A_451 = arith.constant 0 : i32
      %dma_wait3A_452 = arith.constant 0 : i32
      %dma_wait3A_453 = tpu.memref_slice %arg6[%dma_wait3A_440, %dma_wait3A_451, %dma_wait3A_452] : memref<4x16x1024xf32, #tpu.memory_space<vmem>> -> memref<1x16x1024xf32, #tpu.memory_space<vmem>>
      %dma_wait3A_454 = tpu.memref_squeeze %dma_wait3A_453 : memref<1x16x1024xf32, #tpu.memory_space<vmem>> -> memref<16x1024xf32, #tpu.memory_space<vmem>>
      %dma_wait3A_455 = arith.constant 0 : i32
      %dma_wait3A_456 = arith.constant 0 : i32
      %dma_wait3A_457 = tpu.memref_slice %arg3[%dma_wait3A_455, %dma_wait3A_456] : memref<16384x1024xf32, #tpu.memory_space<hbm>> -> memref<16x1024xf32, #tpu.memory_space<hbm>>
      tpu.wait_dma2 semaphore(%dma_wait3A_450 : memref<!tpu.dma_semaphore, #tpu.memory_space<semaphore_mem>>) src(%dma_wait3A_457 : memref<16x1024xf32, #tpu.memory_space<hbm>>) dst(%dma_wait3A_454 : memref<16x1024xf32, #tpu.memory_space<vmem>>)
      %add3A_458 = arith.constant 1 : i32
      %add3A_459 = arith.addi %mul3A_400, %add3A_458 : i32
      %mul3A_460 = arith.constant 16 : i32
      %mul3A_461 = arith.muli %add3A_459, %mul3A_460 : i32
      %add3A_462 = arith.addi %add3A_35, %mul3A_461 : i32
      %dma_start3A_463 = arith.constant 1 : i32
      %dma_start3A_464 = arith.constant 1 : i32
      %dma_start3A_465 = arith.constant 0 : i32
      %dma_start3A_466 = arith.constant 0 : i32
      %dma_start3A_467 = tpu.memref_slice %arg6[%dma_start3A_463, %dma_start3A_465, %dma_start3A_466] : memref<4x16x1024xf32, #tpu.memory_space<vmem>> -> memref<1x16x1024xf32, #tpu.memory_space<vmem>>
      %dma_start3A_468 = tpu.memref_squeeze %dma_start3A_467 : memref<1x16x1024xf32, #tpu.memory_space<vmem>> -> memref<16x1024xf32, #tpu.memory_space<vmem>>
      %dma_start3A_469 = arith.constant 0 : i32
      %dma_start3A_470 = tpu.memref_slice %arg4[%add3A_462, %dma_start3A_469] : memref<32768x1024xf32, #tpu.memory_space<hbm>> -> memref<16x1024xf32, #tpu.memory_space<hbm>>
      %dma_start3A_471 = tpu.memref_slice %arg8[%dma_start3A_464] : memref<4x!tpu.dma_semaphore, #tpu.memory_space<semaphore_mem>> -> memref<1x!tpu.dma_semaphore, #tpu.memory_space<semaphore_mem>>
      %dma_start3A_472 = tpu.memref_squeeze %dma_start3A_471 : memref<1x!tpu.dma_semaphore, #tpu.memory_space<semaphore_mem>> -> memref<!tpu.dma_semaphore, #tpu.memory_space<semaphore_mem>>
      %dma_start3A_473 = arith.constant 0 : i32
      %dma_start3A_474 = tpu.memref_slice %arg4[%add3A_462, %dma_start3A_473] : memref<32768x1024xf32, #tpu.memory_space<hbm>> -> memref<16x1024xf32, #tpu.memory_space<hbm>>
      %dma_start3A_475 = arith.constant 0 : i32
      %dma_start3A_476 = arith.constant 0 : i32
      %dma_start3A_477 = tpu.memref_slice %arg6[%dma_start3A_463, %dma_start3A_475, %dma_start3A_476] : memref<4x16x1024xf32, #tpu.memory_space<vmem>> -> memref<1x16x1024xf32, #tpu.memory_space<vmem>>
      %dma_start3A_478 = tpu.memref_squeeze %dma_start3A_477 : memref<1x16x1024xf32, #tpu.memory_space<vmem>> -> memref<16x1024xf32, #tpu.memory_space<vmem>>
      tpu.enqueue_dma source(%dma_start3A_478 : memref<16x1024xf32, #tpu.memory_space<vmem>>) target(%dma_start3A_474 : memref<16x1024xf32, #tpu.memory_space<hbm>>) target_semaphore(%dma_start3A_472 : memref<!tpu.dma_semaphore, #tpu.memory_space<semaphore_mem>>)
      %dma_wait3A_479 = arith.constant 2 : i32
      %dma_wait3A_480 = arith.constant 2 : i32
      %dma_wait3A_481 = arith.constant 0 : i32
      %dma_wait3A_482 = arith.constant 0 : i32
      %dma_wait3A_483 = tpu.memref_slice %arg6[%dma_wait3A_479, %dma_wait3A_481, %dma_wait3A_482] : memref<4x16x1024xf32, #tpu.memory_space<vmem>> -> memref<1x16x1024xf32, #tpu.memory_space<vmem>>
      %dma_wait3A_484 = tpu.memref_squeeze %dma_wait3A_483 : memref<1x16x1024xf32, #tpu.memory_space<vmem>> -> memref<16x1024xf32, #tpu.memory_space<vmem>>
      %dma_wait3A_485 = arith.constant 0 : i32
      %dma_wait3A_486 = arith.constant 0 : i32
      %dma_wait3A_487 = tpu.memref_slice %arg3[%dma_wait3A_485, %dma_wait3A_486] : memref<16384x1024xf32, #tpu.memory_space<hbm>> -> memref<16x1024xf32, #tpu.memory_space<hbm>>
      %dma_wait3A_488 = tpu.memref_slice %arg7[%dma_wait3A_480] : memref<4x!tpu.dma_semaphore, #tpu.memory_space<semaphore_mem>> -> memref<1x!tpu.dma_semaphore, #tpu.memory_space<semaphore_mem>>
      %dma_wait3A_489 = tpu.memref_squeeze %dma_wait3A_488 : memref<1x!tpu.dma_semaphore, #tpu.memory_space<semaphore_mem>> -> memref<!tpu.dma_semaphore, #tpu.memory_space<semaphore_mem>>
      %dma_wait3A_490 = arith.constant 0 : i32
      %dma_wait3A_491 = arith.constant 0 : i32
      %dma_wait3A_492 = tpu.memref_slice %arg6[%dma_wait3A_479, %dma_wait3A_490, %dma_wait3A_491] : memref<4x16x1024xf32, #tpu.memory_space<vmem>> -> memref<1x16x1024xf32, #tpu.memory_space<vmem>>
      %dma_wait3A_493 = tpu.memref_squeeze %dma_wait3A_492 : memref<1x16x1024xf32, #tpu.memory_space<vmem>> -> memref<16x1024xf32, #tpu.memory_space<vmem>>
      %dma_wait3A_494 = arith.constant 0 : i32
      %dma_wait3A_495 = arith.constant 0 : i32
      %dma_wait3A_496 = tpu.memref_slice %arg3[%dma_wait3A_494, %dma_wait3A_495] : memref<16384x1024xf32, #tpu.memory_space<hbm>> -> memref<16x1024xf32, #tpu.memory_space<hbm>>
      tpu.wait_dma2 semaphore(%dma_wait3A_489 : memref<!tpu.dma_semaphore, #tpu.memory_space<semaphore_mem>>) src(%dma_wait3A_496 : memref<16x1024xf32, #tpu.memory_space<hbm>>) dst(%dma_wait3A_493 : memref<16x1024xf32, #tpu.memory_space<vmem>>)
      %add3A_497 = arith.constant 2 : i32
      %add3A_498 = arith.addi %mul3A_400, %add3A_497 : i32
      %mul3A_499 = arith.constant 16 : i32
      %mul3A_500 = arith.muli %add3A_498, %mul3A_499 : i32
      %add3A_501 = arith.addi %add3A_35, %mul3A_500 : i32
      %dma_start3A_502 = arith.constant 2 : i32
      %dma_start3A_503 = arith.constant 2 : i32
      %dma_start3A_504 = arith.constant 0 : i32
      %dma_start3A_505 = arith.constant 0 : i32
      %dma_start3A_506 = tpu.memref_slice %arg6[%dma_start3A_502, %dma_start3A_504, %dma_start3A_505] : memref<4x16x1024xf32, #tpu.memory_space<vmem>> -> memref<1x16x1024xf32, #tpu.memory_space<vmem>>
      %dma_start3A_507 = tpu.memref_squeeze %dma_start3A_506 : memref<1x16x1024xf32, #tpu.memory_space<vmem>> -> memref<16x1024xf32, #tpu.memory_space<vmem>>
      %dma_start3A_508 = arith.constant 0 : i32
      %dma_start3A_509 = tpu.memref_slice %arg4[%add3A_501, %dma_start3A_508] : memref<32768x1024xf32, #tpu.memory_space<hbm>> -> memref<16x1024xf32, #tpu.memory_space<hbm>>
      %dma_start3A_510 = tpu.memref_slice %arg8[%dma_start3A_503] : memref<4x!tpu.dma_semaphore, #tpu.memory_space<semaphore_mem>> -> memref<1x!tpu.dma_semaphore, #tpu.memory_space<semaphore_mem>>
      %dma_start3A_511 = tpu.memref_squeeze %dma_start3A_510 : memref<1x!tpu.dma_semaphore, #tpu.memory_space<semaphore_mem>> -> memref<!tpu.dma_semaphore, #tpu.memory_space<semaphore_mem>>
      %dma_start3A_512 = arith.constant 0 : i32
      %dma_start3A_513 = tpu.memref_slice %arg4[%add3A_501, %dma_start3A_512] : memref<32768x1024xf32, #tpu.memory_space<hbm>> -> memref<16x1024xf32, #tpu.memory_space<hbm>>
      %dma_start3A_514 = arith.constant 0 : i32
      %dma_start3A_515 = arith.constant 0 : i32
      %dma_start3A_516 = tpu.memref_slice %arg6[%dma_start3A_502, %dma_start3A_514, %dma_start3A_515] : memref<4x16x1024xf32, #tpu.memory_space<vmem>> -> memref<1x16x1024xf32, #tpu.memory_space<vmem>>
      %dma_start3A_517 = tpu.memref_squeeze %dma_start3A_516 : memref<1x16x1024xf32, #tpu.memory_space<vmem>> -> memref<16x1024xf32, #tpu.memory_space<vmem>>
      tpu.enqueue_dma source(%dma_start3A_517 : memref<16x1024xf32, #tpu.memory_space<vmem>>) target(%dma_start3A_513 : memref<16x1024xf32, #tpu.memory_space<hbm>>) target_semaphore(%dma_start3A_511 : memref<!tpu.dma_semaphore, #tpu.memory_space<semaphore_mem>>)
      %dma_wait3A_518 = arith.constant 3 : i32
      %dma_wait3A_519 = arith.constant 3 : i32
      %dma_wait3A_520 = arith.constant 0 : i32
      %dma_wait3A_521 = arith.constant 0 : i32
      %dma_wait3A_522 = tpu.memref_slice %arg6[%dma_wait3A_518, %dma_wait3A_520, %dma_wait3A_521] : memref<4x16x1024xf32, #tpu.memory_space<vmem>> -> memref<1x16x1024xf32, #tpu.memory_space<vmem>>
      %dma_wait3A_523 = tpu.memref_squeeze %dma_wait3A_522 : memref<1x16x1024xf32, #tpu.memory_space<vmem>> -> memref<16x1024xf32, #tpu.memory_space<vmem>>
      %dma_wait3A_524 = arith.constant 0 : i32
      %dma_wait3A_525 = arith.constant 0 : i32
      %dma_wait3A_526 = tpu.memref_slice %arg3[%dma_wait3A_524, %dma_wait3A_525] : memref<16384x1024xf32, #tpu.memory_space<hbm>> -> memref<16x1024xf32, #tpu.memory_space<hbm>>
      %dma_wait3A_527 = tpu.memref_slice %arg7[%dma_wait3A_519] : memref<4x!tpu.dma_semaphore, #tpu.memory_space<semaphore_mem>> -> memref<1x!tpu.dma_semaphore, #tpu.memory_space<semaphore_mem>>
      %dma_wait3A_528 = tpu.memref_squeeze %dma_wait3A_527 : memref<1x!tpu.dma_semaphore, #tpu.memory_space<semaphore_mem>> -> memref<!tpu.dma_semaphore, #tpu.memory_space<semaphore_mem>>
      %dma_wait3A_529 = arith.constant 0 : i32
      %dma_wait3A_530 = arith.constant 0 : i32
      %dma_wait3A_531 = tpu.memref_slice %arg6[%dma_wait3A_518, %dma_wait3A_529, %dma_wait3A_530] : memref<4x16x1024xf32, #tpu.memory_space<vmem>> -> memref<1x16x1024xf32, #tpu.memory_space<vmem>>
      %dma_wait3A_532 = tpu.memref_squeeze %dma_wait3A_531 : memref<1x16x1024xf32, #tpu.memory_space<vmem>> -> memref<16x1024xf32, #tpu.memory_space<vmem>>
      %dma_wait3A_533 = arith.constant 0 : i32
      %dma_wait3A_534 = arith.constant 0 : i32
      %dma_wait3A_535 = tpu.memref_slice %arg3[%dma_wait3A_533, %dma_wait3A_534] : memref<16384x1024xf32, #tpu.memory_space<hbm>> -> memref<16x1024xf32, #tpu.memory_space<hbm>>
      tpu.wait_dma2 semaphore(%dma_wait3A_528 : memref<!tpu.dma_semaphore, #tpu.memory_space<semaphore_mem>>) src(%dma_wait3A_535 : memref<16x1024xf32, #tpu.memory_space<hbm>>) dst(%dma_wait3A_532 : memref<16x1024xf32, #tpu.memory_space<vmem>>)
      %add3A_536 = arith.constant 3 : i32
      %add3A_537 = arith.addi %mul3A_400, %add3A_536 : i32
      %mul3A_538 = arith.constant 16 : i32
      %mul3A_539 = arith.muli %add3A_537, %mul3A_538 : i32
      %add3A_540 = arith.addi %add3A_35, %mul3A_539 : i32
      %dma_start3A_541 = arith.constant 3 : i32
      %dma_start3A_542 = arith.constant 3 : i32
      %dma_start3A_543 = arith.constant 0 : i32
      %dma_start3A_544 = arith.constant 0 : i32
      %dma_start3A_545 = tpu.memref_slice %arg6[%dma_start3A_541, %dma_start3A_543, %dma_start3A_544] : memref<4x16x1024xf32, #tpu.memory_space<vmem>> -> memref<1x16x1024xf32, #tpu.memory_space<vmem>>
      %dma_start3A_546 = tpu.memref_squeeze %dma_start3A_545 : memref<1x16x1024xf32, #tpu.memory_space<vmem>> -> memref<16x1024xf32, #tpu.memory_space<vmem>>
      %dma_start3A_547 = arith.constant 0 : i32
      %dma_start3A_548 = tpu.memref_slice %arg4[%add3A_540, %dma_start3A_547] : memref<32768x1024xf32, #tpu.memory_space<hbm>> -> memref<16x1024xf32, #tpu.memory_space<hbm>>
      %dma_start3A_549 = tpu.memref_slice %arg8[%dma_start3A_542] : memref<4x!tpu.dma_semaphore, #tpu.memory_space<semaphore_mem>> -> memref<1x!tpu.dma_semaphore, #tpu.memory_space<semaphore_mem>>
      %dma_start3A_550 = tpu.memref_squeeze %dma_start3A_549 : memref<1x!tpu.dma_semaphore, #tpu.memory_space<semaphore_mem>> -> memref<!tpu.dma_semaphore, #tpu.memory_space<semaphore_mem>>
      %dma_start3A_551 = arith.constant 0 : i32
      %dma_start3A_552 = tpu.memref_slice %arg4[%add3A_540, %dma_start3A_551] : memref<32768x1024xf32, #tpu.memory_space<hbm>> -> memref<16x1024xf32, #tpu.memory_space<hbm>>
      %dma_start3A_553 = arith.constant 0 : i32
      %dma_start3A_554 = arith.constant 0 : i32
      %dma_start3A_555 = tpu.memref_slice %arg6[%dma_start3A_541, %dma_start3A_553, %dma_start3A_554] : memref<4x16x1024xf32, #tpu.memory_space<vmem>> -> memref<1x16x1024xf32, #tpu.memory_space<vmem>>
      %dma_start3A_556 = tpu.memref_squeeze %dma_start3A_555 : memref<1x16x1024xf32, #tpu.memory_space<vmem>> -> memref<16x1024xf32, #tpu.memory_space<vmem>>
      tpu.enqueue_dma source(%dma_start3A_556 : memref<16x1024xf32, #tpu.memory_space<vmem>>) target(%dma_start3A_552 : memref<16x1024xf32, #tpu.memory_space<hbm>>) target_semaphore(%dma_start3A_550 : memref<!tpu.dma_semaphore, #tpu.memory_space<semaphore_mem>>)
      %add3A_557 = arith.constant 0 : i32
      %add3A_558 = arith.addi %mul3A_400, %add3A_557 : i32
      %mul3A_559 = arith.constant 16 : i32
      %mul3A_560 = arith.muli %add3A_558, %mul3A_559 : i32
      %add3A_561 = arith.addi %add3A_35, %mul3A_560 : i32
      %dma_wait3A_562 = arith.constant 0 : i32
      %dma_wait3A_563 = arith.constant 0 : i32
      %dma_wait3A_564 = arith.constant 0 : i32
      %dma_wait3A_565 = arith.constant 0 : i32
      %dma_wait3A_566 = tpu.memref_slice %arg6[%dma_wait3A_562, %dma_wait3A_564, %dma_wait3A_565] : memref<4x16x1024xf32, #tpu.memory_space<vmem>> -> memref<1x16x1024xf32, #tpu.memory_space<vmem>>
      %dma_wait3A_567 = tpu.memref_squeeze %dma_wait3A_566 : memref<1x16x1024xf32, #tpu.memory_space<vmem>> -> memref<16x1024xf32, #tpu.memory_space<vmem>>
      %dma_wait3A_568 = arith.constant 0 : i32
      %dma_wait3A_569 = tpu.memref_slice %arg4[%add3A_561, %dma_wait3A_568] : memref<32768x1024xf32, #tpu.memory_space<hbm>> -> memref<16x1024xf32, #tpu.memory_space<hbm>>
      %dma_wait3A_570 = tpu.memref_slice %arg8[%dma_wait3A_563] : memref<4x!tpu.dma_semaphore, #tpu.memory_space<semaphore_mem>> -> memref<1x!tpu.dma_semaphore, #tpu.memory_space<semaphore_mem>>
      %dma_wait3A_571 = tpu.memref_squeeze %dma_wait3A_570 : memref<1x!tpu.dma_semaphore, #tpu.memory_space<semaphore_mem>> -> memref<!tpu.dma_semaphore, #tpu.memory_space<semaphore_mem>>
      %dma_wait3A_572 = arith.constant 0 : i32
      %dma_wait3A_573 = tpu.memref_slice %arg4[%add3A_561, %dma_wait3A_572] : memref<32768x1024xf32, #tpu.memory_space<hbm>> -> memref<16x1024xf32, #tpu.memory_space<hbm>>
      %dma_wait3A_574 = arith.constant 0 : i32
      %dma_wait3A_575 = arith.constant 0 : i32
      %dma_wait3A_576 = tpu.memref_slice %arg6[%dma_wait3A_562, %dma_wait3A_574, %dma_wait3A_575] : memref<4x16x1024xf32, #tpu.memory_space<vmem>> -> memref<1x16x1024xf32, #tpu.memory_space<vmem>>
      %dma_wait3A_577 = tpu.memref_squeeze %dma_wait3A_576 : memref<1x16x1024xf32, #tpu.memory_space<vmem>> -> memref<16x1024xf32, #tpu.memory_space<vmem>>
      tpu.wait_dma2 semaphore(%dma_wait3A_571 : memref<!tpu.dma_semaphore, #tpu.memory_space<semaphore_mem>>) src(%dma_wait3A_577 : memref<16x1024xf32, #tpu.memory_space<vmem>>) dst(%dma_wait3A_573 : memref<16x1024xf32, #tpu.memory_space<hbm>>)
      %add3A_578 = arith.constant 4 : i32
      %add3A_579 = arith.addi %mul3A_400, %add3A_578 : i32
      %add3A_580 = arith.constant 0 : i32
      %add3A_581 = arith.addi %add3A_579, %add3A_580 : i32
      %mul3A_582 = arith.constant 1024 : i32
      %mul3A_583 = arith.muli %select_n3A_30, %mul3A_582 : i32
      %mul3A_584 = arith.constant 16 : i32
      %mul3A_585 = arith.muli %add3A_581, %mul3A_584 : i32
      %add3A_586 = arith.addi %mul3A_583, %mul3A_585 : i32
      %get3A_587 = arith.index_cast %add3A_586 : i32 to index
      %get3A_588 = tpu.vector_load %arg5[%get3A_587] {strides = array<i32>} : memref<8192xi32, #tpu.memory_space<vmem>>, vector<16xi32>,
      %ne3A_589 = arith.cmpi ne, %get3A_588, %broadcast_in_dim3A_40 : vector<16xi32>
      %select_n3A_590 = arith.select %ne3A_589, %broadcast_in_dim3A_36, %broadcast_in_dim3A_38 : vector<16xi1>, vector<16xi32>
      %broadcast_in_dim3A_591 = arith.constant true
      %broadcast_in_dim3A_592 = vector.broadcast %broadcast_in_dim3A_591 : i1 to vector<16xi1>
      %masked_cumsum3A_593 = tpu.scan <sum>, %select_n3A_590 masked %broadcast_in_dim3A_592 : vector<16xi32>, vector<16xi1> -> vector<16xi32>
      %broadcast_in_dim3A_594 = vector.broadcast %scan3A_398 : i32 to vector<16xi32>
      %add3A_595 = arith.addi %masked_cumsum3A_593, %broadcast_in_dim3A_594 : vector<16xi32>
      %mul3A_596 = arith.muli %add3A_595, %select_n3A_590 : vector<16xi32>
      %add3A_597 = arith.addi %mul3A_596, %broadcast_in_dim3A_36 : vector<16xi32>
      %reduce_sum3A_598 = arith.constant true
      %reduce_sum3A_599 = vector.broadcast %reduce_sum3A_598 : i1 to vector<16xi1>
      %reduce_sum3A_600 = tpu.scan <sum>, %select_n3A_590 masked %reduce_sum3A_599 : vector<16xi32>, vector<16xi1> -> vector<16xi32>
      %reduce_sum3A_601 = vector.extract %reduce_sum3A_600[15] : i32 from vector<16xi32>
      %add3A_602 = arith.addi %scan3A_398, %reduce_sum3A_601 : i32
      %dma_start3A_603 = arith.constant 0 : i32
      %dma_start3A_604 = arith.constant 0 : i32
      %dma_start3A_605 = arith.constant 0 : i32
      %dma_start3A_606 = arith.constant 0 : i32
      %dma_start3A_607 = tpu.memref_slice %arg6[%dma_start3A_603, %dma_start3A_605, %dma_start3A_606] : memref<4x16x1024xf32, #tpu.memory_space<vmem>> -> memref<1x16x1024xf32, #tpu.memory_space<vmem>>
      %dma_start3A_608 = tpu.memref_squeeze %dma_start3A_607 : memref<1x16x1024xf32, #tpu.memory_space<vmem>> -> memref<16x1024xf32, #tpu.memory_space<vmem>>
      %dma_start3A_609 = arith.constant 0 : i32
      %dma_start3A_610 = arith.constant 0 : i32
      %dma_start3A_611 = tpu.memref_slice %arg3[%dma_start3A_609, %dma_start3A_610] : memref<16384x1024xf32, #tpu.memory_space<hbm>> -> memref<16384x1024xf32, #tpu.memory_space<hbm>>
      %dma_start3A_612 = tpu.memref_slice %arg7[%dma_start3A_604] : memref<4x!tpu.dma_semaphore, #tpu.memory_space<semaphore_mem>> -> memref<1x!tpu.dma_semaphore, #tpu.memory_space<semaphore_mem>>
      %dma_start3A_613 = tpu.memref_squeeze %dma_start3A_612 : memref<1x!tpu.dma_semaphore, #tpu.memory_space<semaphore_mem>> -> memref<!tpu.dma_semaphore, #tpu.memory_space<semaphore_mem>>
      tpu.enqueue_indirect_dma source(%dma_start3A_611 : memref<16384x1024xf32, #tpu.memory_space<hbm>>) target(%dma_start3A_608 : memref<16x1024xf32, #tpu.memory_space<vmem>>) offsets(%add3A_597 : vector<16xi32>) semaphore(%dma_start3A_613 : memref<!tpu.dma_semaphore, #tpu.memory_space<semaphore_mem>>)
      %add3A_614 = arith.constant 1 : i32
      %add3A_615 = arith.addi %mul3A_400, %add3A_614 : i32
      %mul3A_616 = arith.constant 16 : i32
      %mul3A_617 = arith.muli %add3A_615, %mul3A_616 : i32
      %add3A_618 = arith.addi %add3A_35, %mul3A_617 : i32
      %dma_wait3A_619 = arith.constant 1 : i32
      %dma_wait3A_620 = arith.constant 1 : i32
      %dma_wait3A_621 = arith.constant 0 : i32
      %dma_wait3A_622 = arith.constant 0 : i32
      %dma_wait3A_623 = tpu.memref_slice %arg6[%dma_wait3A_619, %dma_wait3A_621, %dma_wait3A_622] : memref<4x16x1024xf32, #tpu.memory_space<vmem>> -> memref<1x16x1024xf32, #tpu.memory_space<vmem>>
      %dma_wait3A_624 = tpu.memref_squeeze %dma_wait3A_623 : memref<1x16x1024xf32, #tpu.memory_space<vmem>> -> memref<16x1024xf32, #tpu.memory_space<vmem>>
      %dma_wait3A_625 = arith.constant 0 : i32
      %dma_wait3A_626 = tpu.memref_slice %arg4[%add3A_618, %dma_wait3A_625] : memref<32768x1024xf32, #tpu.memory_space<hbm>> -> memref<16x1024xf32, #tpu.memory_space<hbm>>
      %dma_wait3A_627 = tpu.memref_slice %arg8[%dma_wait3A_620] : memref<4x!tpu.dma_semaphore, #tpu.memory_space<semaphore_mem>> -> memref<1x!tpu.dma_semaphore, #tpu.memory_space<semaphore_mem>>
      %dma_wait3A_628 = tpu.memref_squeeze %dma_wait3A_627 : memref<1x!tpu.dma_semaphore, #tpu.memory_space<semaphore_mem>> -> memref<!tpu.dma_semaphore, #tpu.memory_space<semaphore_mem>>
      %dma_wait3A_629 = arith.constant 0 : i32
      %dma_wait3A_630 = tpu.memref_slice %arg4[%add3A_618, %dma_wait3A_629] : memref<32768x1024xf32, #tpu.memory_space<hbm>> -> memref<16x1024xf32, #tpu.memory_space<hbm>>
      %dma_wait3A_631 = arith.constant 0 : i32
      %dma_wait3A_632 = arith.constant 0 : i32
      %dma_wait3A_633 = tpu.memref_slice %arg6[%dma_wait3A_619, %dma_wait3A_631, %dma_wait3A_632] : memref<4x16x1024xf32, #tpu.memory_space<vmem>> -> memref<1x16x1024xf32, #tpu.memory_space<vmem>>
      %dma_wait3A_634 = tpu.memref_squeeze %dma_wait3A_633 : memref<1x16x1024xf32, #tpu.memory_space<vmem>> -> memref<16x1024xf32, #tpu.memory_space<vmem>>
      tpu.wait_dma2 semaphore(%dma_wait3A_628 : memref<!tpu.dma_semaphore, #tpu.memory_space<semaphore_mem>>) src(%dma_wait3A_634 : memref<16x1024xf32, #tpu.memory_space<vmem>>) dst(%dma_wait3A_630 : memref<16x1024xf32, #tpu.memory_space<hbm>>)
      %add3A_635 = arith.constant 4 : i32
      %add3A_636 = arith.addi %mul3A_400, %add3A_635 : i32
      %add3A_637 = arith.constant 1 : i32
      %add3A_638 = arith.addi %add3A_636, %add3A_637 : i32
      %mul3A_639 = arith.constant 1024 : i32
      %mul3A_640 = arith.muli %select_n3A_30, %mul3A_639 : i32
      %mul3A_641 = arith.constant 16 : i32
      %mul3A_642 = arith.muli %add3A_638, %mul3A_641 : i32
      %add3A_643 = arith.addi %mul3A_640, %mul3A_642 : i32
      %get3A_644 = arith.index_cast %add3A_643 : i32 to index
      %get3A_645 = tpu.vector_load %arg5[%get3A_644] {strides = array<i32>} : memref<8192xi32, #tpu.memory_space<vmem>>, vector<16xi32>,
      %ne3A_646 = arith.cmpi ne, %get3A_645, %broadcast_in_dim3A_40 : vector<16xi32>
      %select_n3A_647 = arith.select %ne3A_646, %broadcast_in_dim3A_36, %broadcast_in_dim3A_38 : vector<16xi1>, vector<16xi32>
      %broadcast_in_dim3A_648 = arith.constant true
      %broadcast_in_dim3A_649 = vector.broadcast %broadcast_in_dim3A_648 : i1 to vector<16xi1>
      %masked_cumsum3A_650 = tpu.scan <sum>, %select_n3A_647 masked %broadcast_in_dim3A_649 : vector<16xi32>, vector<16xi1> -> vector<16xi32>
      %broadcast_in_dim3A_651 = vector.broadcast %add3A_602 : i32 to vector<16xi32>
      %add3A_652 = arith.addi %masked_cumsum3A_650, %broadcast_in_dim3A_651 : vector<16xi32>
      %mul3A_653 = arith.muli %add3A_652, %select_n3A_647 : vector<16xi32>
      %add3A_654 = arith.addi %mul3A_653, %broadcast_in_dim3A_36 : vector<16xi32>
      %reduce_sum3A_655 = arith.constant true
      %reduce_sum3A_656 = vector.broadcast %reduce_sum3A_655 : i1 to vector<16xi1>
      %reduce_sum3A_657 = tpu.scan <sum>, %select_n3A_647 masked %reduce_sum3A_656 : vector<16xi32>, vector<16xi1> -> vector<16xi32>
      %reduce_sum3A_658 = vector.extract %reduce_sum3A_657[15] : i32 from vector<16xi32>
      %add3A_659 = arith.addi %add3A_602, %reduce_sum3A_658 : i32
      %dma_start3A_660 = arith.constant 1 : i32
      %dma_start3A_661 = arith.constant 1 : i32
      %dma_start3A_662 = arith.constant 0 : i32
      %dma_start3A_663 = arith.constant 0 : i32
      %dma_start3A_664 = tpu.memref_slice %arg6[%dma_start3A_660, %dma_start3A_662, %dma_start3A_663] : memref<4x16x1024xf32, #tpu.memory_space<vmem>> -> memref<1x16x1024xf32, #tpu.memory_space<vmem>>
      %dma_start3A_665 = tpu.memref_squeeze %dma_start3A_664 : memref<1x16x1024xf32, #tpu.memory_space<vmem>> -> memref<16x1024xf32, #tpu.memory_space<vmem>>
      %dma_start3A_666 = arith.constant 0 : i32
      %dma_start3A_667 = arith.constant 0 : i32
      %dma_start3A_668 = tpu.memref_slice %arg3[%dma_start3A_666, %dma_start3A_667] : memref<16384x1024xf32, #tpu.memory_space<hbm>> -> memref<16384x1024xf32, #tpu.memory_space<hbm>>
      %dma_start3A_669 = tpu.memref_slice %arg7[%dma_start3A_661] : memref<4x!tpu.dma_semaphore, #tpu.memory_space<semaphore_mem>> -> memref<1x!tpu.dma_semaphore, #tpu.memory_space<semaphore_mem>>
      %dma_start3A_670 = tpu.memref_squeeze %dma_start3A_669 : memref<1x!tpu.dma_semaphore, #tpu.memory_space<semaphore_mem>> -> memref<!tpu.dma_semaphore, #tpu.memory_space<semaphore_mem>>
      tpu.enqueue_indirect_dma source(%dma_start3A_668 : memref<16384x1024xf32, #tpu.memory_space<hbm>>) target(%dma_start3A_665 : memref<16x1024xf32, #tpu.memory_space<vmem>>) offsets(%add3A_654 : vector<16xi32>) semaphore(%dma_start3A_670 : memref<!tpu.dma_semaphore, #tpu.memory_space<semaphore_mem>>)
      %add3A_671 = arith.constant 2 : i32
      %add3A_672 = arith.addi %mul3A_400, %add3A_671 : i32
      %mul3A_673 = arith.constant 16 : i32
      %mul3A_674 = arith.muli %add3A_672, %mul3A_673 : i32
      %add3A_675 = arith.addi %add3A_35, %mul3A_674 : i32
      %dma_wait3A_676 = arith.constant 2 : i32
      %dma_wait3A_677 = arith.constant 2 : i32
      %dma_wait3A_678 = arith.constant 0 : i32
      %dma_wait3A_679 = arith.constant 0 : i32
      %dma_wait3A_680 = tpu.memref_slice %arg6[%dma_wait3A_676, %dma_wait3A_678, %dma_wait3A_679] : memref<4x16x1024xf32, #tpu.memory_space<vmem>> -> memref<1x16x1024xf32, #tpu.memory_space<vmem>>
      %dma_wait3A_681 = tpu.memref_squeeze %dma_wait3A_680 : memref<1x16x1024xf32, #tpu.memory_space<vmem>> -> memref<16x1024xf32, #tpu.memory_space<vmem>>
      %dma_wait3A_682 = arith.constant 0 : i32
      %dma_wait3A_683 = tpu.memref_slice %arg4[%add3A_675, %dma_wait3A_682] : memref<32768x1024xf32, #tpu.memory_space<hbm>> -> memref<16x1024xf32, #tpu.memory_space<hbm>>
      %dma_wait3A_684 = tpu.memref_slice %arg8[%dma_wait3A_677] : memref<4x!tpu.dma_semaphore, #tpu.memory_space<semaphore_mem>> -> memref<1x!tpu.dma_semaphore, #tpu.memory_space<semaphore_mem>>
      %dma_wait3A_685 = tpu.memref_squeeze %dma_wait3A_684 : memref<1x!tpu.dma_semaphore, #tpu.memory_space<semaphore_mem>> -> memref<!tpu.dma_semaphore, #tpu.memory_space<semaphore_mem>>
      %dma_wait3A_686 = arith.constant 0 : i32
      %dma_wait3A_687 = tpu.memref_slice %arg4[%add3A_675, %dma_wait3A_686] : memref<32768x1024xf32, #tpu.memory_space<hbm>> -> memref<16x1024xf32, #tpu.memory_space<hbm>>
      %dma_wait3A_688 = arith.constant 0 : i32
      %dma_wait3A_689 = arith.constant 0 : i32
      %dma_wait3A_690 = tpu.memref_slice %arg6[%dma_wait3A_676, %dma_wait3A_688, %dma_wait3A_689] : memref<4x16x1024xf32, #tpu.memory_space<vmem>> -> memref<1x16x1024xf32, #tpu.memory_space<vmem>>
      %dma_wait3A_691 = tpu.memref_squeeze %dma_wait3A_690 : memref<1x16x1024xf32, #tpu.memory_space<vmem>> -> memref<16x1024xf32, #tpu.memory_space<vmem>>
      tpu.wait_dma2 semaphore(%dma_wait3A_685 : memref<!tpu.dma_semaphore, #tpu.memory_space<semaphore_mem>>) src(%dma_wait3A_691 : memref<16x1024xf32, #tpu.memory_space<vmem>>) dst(%dma_wait3A_687 : memref<16x1024xf32, #tpu.memory_space<hbm>>)
      %add3A_692 = arith.constant 4 : i32
      %add3A_693 = arith.addi %mul3A_400, %add3A_692 : i32
      %add3A_694 = arith.constant 2 : i32
      %add3A_695 = arith.addi %add3A_693, %add3A_694 : i32
      %mul3A_696 = arith.constant 1024 : i32
      %mul3A_697 = arith.muli %select_n3A_30, %mul3A_696 : i32
      %mul3A_698 = arith.constant 16 : i32
      %mul3A_699 = arith.muli %add3A_695, %mul3A_698 : i32
      %add3A_700 = arith.addi %mul3A_697, %mul3A_699 : i32
      %get3A_701 = arith.index_cast %add3A_700 : i32 to index
      %get3A_702 = tpu.vector_load %arg5[%get3A_701] {strides = array<i32>} : memref<8192xi32, #tpu.memory_space<vmem>>, vector<16xi32>,
      %ne3A_703 = arith.cmpi ne, %get3A_702, %broadcast_in_dim3A_40 : vector<16xi32>
      %select_n3A_704 = arith.select %ne3A_703, %broadcast_in_dim3A_36, %broadcast_in_dim3A_38 : vector<16xi1>, vector<16xi32>
      %broadcast_in_dim3A_705 = arith.constant true
      %broadcast_in_dim3A_706 = vector.broadcast %broadcast_in_dim3A_705 : i1 to vector<16xi1>
      %masked_cumsum3A_707 = tpu.scan <sum>, %select_n3A_704 masked %broadcast_in_dim3A_706 : vector<16xi32>, vector<16xi1> -> vector<16xi32>
      %broadcast_in_dim3A_708 = vector.broadcast %add3A_659 : i32 to vector<16xi32>
      %add3A_709 = arith.addi %masked_cumsum3A_707, %broadcast_in_dim3A_708 : vector<16xi32>
      %mul3A_710 = arith.muli %add3A_709, %select_n3A_704 : vector<16xi32>
      %add3A_711 = arith.addi %mul3A_710, %broadcast_in_dim3A_36 : vector<16xi32>
      %reduce_sum3A_712 = arith.constant true
      %reduce_sum3A_713 = vector.broadcast %reduce_sum3A_712 : i1 to vector<16xi1>
      %reduce_sum3A_714 = tpu.scan <sum>, %select_n3A_704 masked %reduce_sum3A_713 : vector<16xi32>, vector<16xi1> -> vector<16xi32>
      %reduce_sum3A_715 = vector.extract %reduce_sum3A_714[15] : i32 from vector<16xi32>
      %add3A_716 = arith.addi %add3A_659, %reduce_sum3A_715 : i32
      %dma_start3A_717 = arith.constant 2 : i32
      %dma_start3A_718 = arith.constant 2 : i32
      %dma_start3A_719 = arith.constant 0 : i32
      %dma_start3A_720 = arith.constant 0 : i32
      %dma_start3A_721 = tpu.memref_slice %arg6[%dma_start3A_717, %dma_start3A_719, %dma_start3A_720] : memref<4x16x1024xf32, #tpu.memory_space<vmem>> -> memref<1x16x1024xf32, #tpu.memory_space<vmem>>
      %dma_start3A_722 = tpu.memref_squeeze %dma_start3A_721 : memref<1x16x1024xf32, #tpu.memory_space<vmem>> -> memref<16x1024xf32, #tpu.memory_space<vmem>>
      %dma_start3A_723 = arith.constant 0 : i32
      %dma_start3A_724 = arith.constant 0 : i32
      %dma_start3A_725 = tpu.memref_slice %arg3[%dma_start3A_723, %dma_start3A_724] : memref<16384x1024xf32, #tpu.memory_space<hbm>> -> memref<16384x1024xf32, #tpu.memory_space<hbm>>
      %dma_start3A_726 = tpu.memref_slice %arg7[%dma_start3A_718] : memref<4x!tpu.dma_semaphore, #tpu.memory_space<semaphore_mem>> -> memref<1x!tpu.dma_semaphore, #tpu.memory_space<semaphore_mem>>
      %dma_start3A_727 = tpu.memref_squeeze %dma_start3A_726 : memref<1x!tpu.dma_semaphore, #tpu.memory_space<semaphore_mem>> -> memref<!tpu.dma_semaphore, #tpu.memory_space<semaphore_mem>>
      tpu.enqueue_indirect_dma source(%dma_start3A_725 : memref<16384x1024xf32, #tpu.memory_space<hbm>>) target(%dma_start3A_722 : memref<16x1024xf32, #tpu.memory_space<vmem>>) offsets(%add3A_711 : vector<16xi32>) semaphore(%dma_start3A_727 : memref<!tpu.dma_semaphore, #tpu.memory_space<semaphore_mem>>)
      %add3A_728 = arith.constant 3 : i32
      %add3A_729 = arith.addi %mul3A_400, %add3A_728 : i32
      %mul3A_730 = arith.constant 16 : i32
      %mul3A_731 = arith.muli %add3A_729, %mul3A_730 : i32
      %add3A_732 = arith.addi %add3A_35, %mul3A_731 : i32
      %dma_wait3A_733 = arith.constant 3 : i32
      %dma_wait3A_734 = arith.constant 3 : i32
      %dma_wait3A_735 = arith.constant 0 : i32
      %dma_wait3A_736 = arith.constant 0 : i32
      %dma_wait3A_737 = tpu.memref_slice %arg6[%dma_wait3A_733, %dma_wait3A_735, %dma_wait3A_736] : memref<4x16x1024xf32, #tpu.memory_space<vmem>> -> memref<1x16x1024xf32, #tpu.memory_space<vmem>>
      %dma_wait3A_738 = tpu.memref_squeeze %dma_wait3A_737 : memref<1x16x1024xf32, #tpu.memory_space<vmem>> -> memref<16x1024xf32, #tpu.memory_space<vmem>>
      %dma_wait3A_739 = arith.constant 0 : i32
      %dma_wait3A_740 = tpu.memref_slice %arg4[%add3A_732, %dma_wait3A_739] : memref<32768x1024xf32, #tpu.memory_space<hbm>> -> memref<16x1024xf32, #tpu.memory_space<hbm>>
      %dma_wait3A_741 = tpu.memref_slice %arg8[%dma_wait3A_734] : memref<4x!tpu.dma_semaphore, #tpu.memory_space<semaphore_mem>> -> memref<1x!tpu.dma_semaphore, #tpu.memory_space<semaphore_mem>>
      %dma_wait3A_742 = tpu.memref_squeeze %dma_wait3A_741 : memref<1x!tpu.dma_semaphore, #tpu.memory_space<semaphore_mem>> -> memref<!tpu.dma_semaphore, #tpu.memory_space<semaphore_mem>>
      %dma_wait3A_743 = arith.constant 0 : i32
      %dma_wait3A_744 = tpu.memref_slice %arg4[%add3A_732, %dma_wait3A_743] : memref<32768x1024xf32, #tpu.memory_space<hbm>> -> memref<16x1024xf32, #tpu.memory_space<hbm>>
      %dma_wait3A_745 = arith.constant 0 : i32
      %dma_wait3A_746 = arith.constant 0 : i32
      %dma_wait3A_747 = tpu.memref_slice %arg6[%dma_wait3A_733, %dma_wait3A_745, %dma_wait3A_746] : memref<4x16x1024xf32, #tpu.memory_space<vmem>> -> memref<1x16x1024xf32, #tpu.memory_space<vmem>>
      %dma_wait3A_748 = tpu.memref_squeeze %dma_wait3A_747 : memref<1x16x1024xf32, #tpu.memory_space<vmem>> -> memref<16x1024xf32, #tpu.memory_space<vmem>>
      tpu.wait_dma2 semaphore(%dma_wait3A_742 : memref<!tpu.dma_semaphore, #tpu.memory_space<semaphore_mem>>) src(%dma_wait3A_748 : memref<16x1024xf32, #tpu.memory_space<vmem>>) dst(%dma_wait3A_744 : memref<16x1024xf32, #tpu.memory_space<hbm>>)
      %add3A_749 = arith.constant 4 : i32
      %add3A_750 = arith.addi %mul3A_400, %add3A_749 : i32
      %add3A_751 = arith.constant 3 : i32
      %add3A_752 = arith.addi %add3A_750, %add3A_751 : i32
      %mul3A_753 = arith.constant 1024 : i32
      %mul3A_754 = arith.muli %select_n3A_30, %mul3A_753 : i32
      %mul3A_755 = arith.constant 16 : i32
      %mul3A_756 = arith.muli %add3A_752, %mul3A_755 : i32
      %add3A_757 = arith.addi %mul3A_754, %mul3A_756 : i32
      %get3A_758 = arith.index_cast %add3A_757 : i32 to index
      %get3A_759 = tpu.vector_load %arg5[%get3A_758] {strides = array<i32>} : memref<8192xi32, #tpu.memory_space<vmem>>, vector<16xi32>,
      %ne3A_760 = arith.cmpi ne, %get3A_759, %broadcast_in_dim3A_40 : vector<16xi32>
      %select_n3A_761 = arith.select %ne3A_760, %broadcast_in_dim3A_36, %broadcast_in_dim3A_38 : vector<16xi1>, vector<16xi32>
      %broadcast_in_dim3A_762 = arith.constant true
      %broadcast_in_dim3A_763 = vector.broadcast %broadcast_in_dim3A_762 : i1 to vector<16xi1>
      %masked_cumsum3A_764 = tpu.scan <sum>, %select_n3A_761 masked %broadcast_in_dim3A_763 : vector<16xi32>, vector<16xi1> -> vector<16xi32>
      %broadcast_in_dim3A_765 = vector.broadcast %add3A_716 : i32 to vector<16xi32>
      %add3A_766 = arith.addi %masked_cumsum3A_764, %broadcast_in_dim3A_765 : vector<16xi32>
      %mul3A_767 = arith.muli %add3A_766, %select_n3A_761 : vector<16xi32>
      %add3A_768 = arith.addi %mul3A_767, %broadcast_in_dim3A_36 : vector<16xi32>
      %reduce_sum3A_769 = arith.constant true
      %reduce_sum3A_770 = vector.broadcast %reduce_sum3A_769 : i1 to vector<16xi1>
      %reduce_sum3A_771 = tpu.scan <sum>, %select_n3A_761 masked %reduce_sum3A_770 : vector<16xi32>, vector<16xi1> -> vector<16xi32>
      %reduce_sum3A_772 = vector.extract %reduce_sum3A_771[15] : i32 from vector<16xi32>
      %add3A_773 = arith.addi %add3A_716, %reduce_sum3A_772 : i32
      %dma_start3A_774 = arith.constant 3 : i32
      %dma_start3A_775 = arith.constant 3 : i32
      %dma_start3A_776 = arith.constant 0 : i32
      %dma_start3A_777 = arith.constant 0 : i32
      %dma_start3A_778 = tpu.memref_slice %arg6[%dma_start3A_774, %dma_start3A_776, %dma_start3A_777] : memref<4x16x1024xf32, #tpu.memory_space<vmem>> -> memref<1x16x1024xf32, #tpu.memory_space<vmem>>
      %dma_start3A_779 = tpu.memref_squeeze %dma_start3A_778 : memref<1x16x1024xf32, #tpu.memory_space<vmem>> -> memref<16x1024xf32, #tpu.memory_space<vmem>>
      %dma_start3A_780 = arith.constant 0 : i32
      %dma_start3A_781 = arith.constant 0 : i32
      %dma_start3A_782 = tpu.memref_slice %arg3[%dma_start3A_780, %dma_start3A_781] : memref<16384x1024xf32, #tpu.memory_space<hbm>> -> memref<16384x1024xf32, #tpu.memory_space<hbm>>
      %dma_start3A_783 = tpu.memref_slice %arg7[%dma_start3A_775] : memref<4x!tpu.dma_semaphore, #tpu.memory_space<semaphore_mem>> -> memref<1x!tpu.dma_semaphore, #tpu.memory_space<semaphore_mem>>
      %dma_start3A_784 = tpu.memref_squeeze %dma_start3A_783 : memref<1x!tpu.dma_semaphore, #tpu.memory_space<semaphore_mem>> -> memref<!tpu.dma_semaphore, #tpu.memory_space<semaphore_mem>>
      tpu.enqueue_indirect_dma source(%dma_start3A_782 : memref<16384x1024xf32, #tpu.memory_space<hbm>>) target(%dma_start3A_779 : memref<16x1024xf32, #tpu.memory_space<vmem>>) offsets(%add3A_768 : vector<16xi32>) semaphore(%dma_start3A_784 : memref<!tpu.dma_semaphore, #tpu.memory_space<semaphore_mem>>)
      scf.yield %add3A_773 : i32
    }
    %scan3A_181 = arith.constant 15 : i32
    %dma_wait3A = arith.constant 0 : i32
    %dma_wait3A_182 = arith.constant 0 : i32
    %dma_wait3A_183 = arith.constant 0 : i32
    %dma_wait3A_184 = arith.constant 0 : i32
    %dma_wait3A_185 = tpu.memref_slice %arg6[%dma_wait3A, %dma_wait3A_183, %dma_wait3A_184] : memref<4x16x1024xf32, #tpu.memory_space<vmem>> -> memref<1x16x1024xf32, #tpu.memory_space<vmem>>
    %dma_wait3A_186 = tpu.memref_squeeze %dma_wait3A_185 : memref<1x16x1024xf32, #tpu.memory_space<vmem>> -> memref<16x1024xf32, #tpu.memory_space<vmem>>
    %dma_wait3A_187 = arith.constant 0 : i32
    %dma_wait3A_188 = arith.constant 0 : i32
    %dma_wait3A_189 = tpu.memref_slice %arg3[%dma_wait3A_187, %dma_wait3A_188] : memref<16384x1024xf32, #tpu.memory_space<hbm>> -> memref<16x1024xf32, #tpu.memory_space<hbm>>
    %dma_wait3A_190 = tpu.memref_slice %arg7[%dma_wait3A_182] : memref<4x!tpu.dma_semaphore, #tpu.memory_space<semaphore_mem>> -> memref<1x!tpu.dma_semaphore, #tpu.memory_space<semaphore_mem>>
    %dma_wait3A_191 = tpu.memref_squeeze %dma_wait3A_190 : memref<1x!tpu.dma_semaphore, #tpu.memory_space<semaphore_mem>> -> memref<!tpu.dma_semaphore, #tpu.memory_space<semaphore_mem>>
    %dma_wait3A_192 = arith.constant 0 : i32
    %dma_wait3A_193 = arith.constant 0 : i32
    %dma_wait3A_194 = tpu.memref_slice %arg6[%dma_wait3A, %dma_wait3A_192, %dma_wait3A_193] : memref<4x16x1024xf32, #tpu.memory_space<vmem>> -> memref<1x16x1024xf32, #tpu.memory_space<vmem>>
    %dma_wait3A_195 = tpu.memref_squeeze %dma_wait3A_194 : memref<1x16x1024xf32, #tpu.memory_space<vmem>> -> memref<16x1024xf32, #tpu.memory_space<vmem>>
    %dma_wait3A_196 = arith.constant 0 : i32
    %dma_wait3A_197 = arith.constant 0 : i32
    %dma_wait3A_198 = tpu.memref_slice %arg3[%dma_wait3A_196, %dma_wait3A_197] : memref<16384x1024xf32, #tpu.memory_space<hbm>> -> memref<16x1024xf32, #tpu.memory_space<hbm>>
    tpu.wait_dma2 semaphore(%dma_wait3A_191 : memref<!tpu.dma_semaphore, #tpu.memory_space<semaphore_mem>>) src(%dma_wait3A_198 : memref<16x1024xf32, #tpu.memory_space<hbm>>) dst(%dma_wait3A_195 : memref<16x1024xf32, #tpu.memory_space<vmem>>)
    %add3A_199 = arith.constant 960 : i32
    %add3A_200 = arith.addi %add3A_35, %add3A_199 : i32
    %dma_start3A_201 = arith.constant 0 : i32
    %dma_start3A_202 = arith.constant 0 : i32
    %dma_start3A_203 = arith.constant 0 : i32
    %dma_start3A_204 = arith.constant 0 : i32
    %dma_start3A_205 = tpu.memref_slice %arg6[%dma_start3A_201, %dma_start3A_203, %dma_start3A_204] : memref<4x16x1024xf32, #tpu.memory_space<vmem>> -> memref<1x16x1024xf32, #tpu.memory_space<vmem>>
    %dma_start3A_206 = tpu.memref_squeeze %dma_start3A_205 : memref<1x16x1024xf32, #tpu.memory_space<vmem>> -> memref<16x1024xf32, #tpu.memory_space<vmem>>
    %dma_start3A_207 = arith.constant 0 : i32
    %dma_start3A_208 = tpu.memref_slice %arg4[%add3A_200, %dma_start3A_207] : memref<32768x1024xf32, #tpu.memory_space<hbm>> -> memref<16x1024xf32, #tpu.memory_space<hbm>>
    %dma_start3A_209 = tpu.memref_slice %arg8[%dma_start3A_202] : memref<4x!tpu.dma_semaphore, #tpu.memory_space<semaphore_mem>> -> memref<1x!tpu.dma_semaphore, #tpu.memory_space<semaphore_mem>>
    %dma_start3A_210 = tpu.memref_squeeze %dma_start3A_209 : memref<1x!tpu.dma_semaphore, #tpu.memory_space<semaphore_mem>> -> memref<!tpu.dma_semaphore, #tpu.memory_space<semaphore_mem>>
    %dma_start3A_211 = arith.constant 0 : i32
    %dma_start3A_212 = tpu.memref_slice %arg4[%add3A_200, %dma_start3A_211] : memref<32768x1024xf32, #tpu.memory_space<hbm>> -> memref<16x1024xf32, #tpu.memory_space<hbm>>
    %dma_start3A_213 = arith.constant 0 : i32
    %dma_start3A_214 = arith.constant 0 : i32
    %dma_start3A_215 = tpu.memref_slice %arg6[%dma_start3A_201, %dma_start3A_213, %dma_start3A_214] : memref<4x16x1024xf32, #tpu.memory_space<vmem>> -> memref<1x16x1024xf32, #tpu.memory_space<vmem>>
    %dma_start3A_216 = tpu.memref_squeeze %dma_start3A_215 : memref<1x16x1024xf32, #tpu.memory_space<vmem>> -> memref<16x1024xf32, #tpu.memory_space<vmem>>
    tpu.enqueue_dma source(%dma_start3A_216 : memref<16x1024xf32, #tpu.memory_space<vmem>>) target(%dma_start3A_212 : memref<16x1024xf32, #tpu.memory_space<hbm>>) target_semaphore(%dma_start3A_210 : memref<!tpu.dma_semaphore, #tpu.memory_space<semaphore_mem>>)
    %dma_wait3A_217 = arith.constant 1 : i32
    %dma_wait3A_218 = arith.constant 1 : i32
    %dma_wait3A_219 = arith.constant 0 : i32
    %dma_wait3A_220 = arith.constant 0 : i32
    %dma_wait3A_221 = tpu.memref_slice %arg6[%dma_wait3A_217, %dma_wait3A_219, %dma_wait3A_220] : memref<4x16x1024xf32, #tpu.memory_space<vmem>> -> memref<1x16x1024xf32, #tpu.memory_space<vmem>>
    %dma_wait3A_222 = tpu.memref_squeeze %dma_wait3A_221 : memref<1x16x1024xf32, #tpu.memory_space<vmem>> -> memref<16x1024xf32, #tpu.memory_space<vmem>>
    %dma_wait3A_223 = arith.constant 0 : i32
    %dma_wait3A_224 = arith.constant 0 : i32
    %dma_wait3A_225 = tpu.memref_slice %arg3[%dma_wait3A_223, %dma_wait3A_224] : memref<16384x1024xf32, #tpu.memory_space<hbm>> -> memref<16x1024xf32, #tpu.memory_space<hbm>>
    %dma_wait3A_226 = tpu.memref_slice %arg7[%dma_wait3A_218] : memref<4x!tpu.dma_semaphore, #tpu.memory_space<semaphore_mem>> -> memref<1x!tpu.dma_semaphore, #tpu.memory_space<semaphore_mem>>
    %dma_wait3A_227 = tpu.memref_squeeze %dma_wait3A_226 : memref<1x!tpu.dma_semaphore, #tpu.memory_space<semaphore_mem>> -> memref<!tpu.dma_semaphore, #tpu.memory_space<semaphore_mem>>
    %dma_wait3A_228 = arith.constant 0 : i32
    %dma_wait3A_229 = arith.constant 0 : i32
    %dma_wait3A_230 = tpu.memref_slice %arg6[%dma_wait3A_217, %dma_wait3A_228, %dma_wait3A_229] : memref<4x16x1024xf32, #tpu.memory_space<vmem>> -> memref<1x16x1024xf32, #tpu.memory_space<vmem>>
    %dma_wait3A_231 = tpu.memref_squeeze %dma_wait3A_230 : memref<1x16x1024xf32, #tpu.memory_space<vmem>> -> memref<16x1024xf32, #tpu.memory_space<vmem>>
    %dma_wait3A_232 = arith.constant 0 : i32
    %dma_wait3A_233 = arith.constant 0 : i32
    %dma_wait3A_234 = tpu.memref_slice %arg3[%dma_wait3A_232, %dma_wait3A_233] : memref<16384x1024xf32, #tpu.memory_space<hbm>> -> memref<16x1024xf32, #tpu.memory_space<hbm>>
    tpu.wait_dma2 semaphore(%dma_wait3A_227 : memref<!tpu.dma_semaphore, #tpu.memory_space<semaphore_mem>>) src(%dma_wait3A_234 : memref<16x1024xf32, #tpu.memory_space<hbm>>) dst(%dma_wait3A_231 : memref<16x1024xf32, #tpu.memory_space<vmem>>)
    %add3A_235 = arith.constant 976 : i32
    %add3A_236 = arith.addi %add3A_35, %add3A_235 : i32
    %dma_start3A_237 = arith.constant 1 : i32
    %dma_start3A_238 = arith.constant 1 : i32
    %dma_start3A_239 = arith.constant 0 : i32
    %dma_start3A_240 = arith.constant 0 : i32
    %dma_start3A_241 = tpu.memref_slice %arg6[%dma_start3A_237, %dma_start3A_239, %dma_start3A_240] : memref<4x16x1024xf32, #tpu.memory_space<vmem>> -> memref<1x16x1024xf32, #tpu.memory_space<vmem>>
    %dma_start3A_242 = tpu.memref_squeeze %dma_start3A_241 : memref<1x16x1024xf32, #tpu.memory_space<vmem>> -> memref<16x1024xf32, #tpu.memory_space<vmem>>
    %dma_start3A_243 = arith.constant 0 : i32
    %dma_start3A_244 = tpu.memref_slice %arg4[%add3A_236, %dma_start3A_243] : memref<32768x1024xf32, #tpu.memory_space<hbm>> -> memref<16x1024xf32, #tpu.memory_space<hbm>>
    %dma_start3A_245 = tpu.memref_slice %arg8[%dma_start3A_238] : memref<4x!tpu.dma_semaphore, #tpu.memory_space<semaphore_mem>> -> memref<1x!tpu.dma_semaphore, #tpu.memory_space<semaphore_mem>>
    %dma_start3A_246 = tpu.memref_squeeze %dma_start3A_245 : memref<1x!tpu.dma_semaphore, #tpu.memory_space<semaphore_mem>> -> memref<!tpu.dma_semaphore, #tpu.memory_space<semaphore_mem>>
    %dma_start3A_247 = arith.constant 0 : i32
    %dma_start3A_248 = tpu.memref_slice %arg4[%add3A_236, %dma_start3A_247] : memref<32768x1024xf32, #tpu.memory_space<hbm>> -> memref<16x1024xf32, #tpu.memory_space<hbm>>
    %dma_start3A_249 = arith.constant 0 : i32
    %dma_start3A_250 = arith.constant 0 : i32
    %dma_start3A_251 = tpu.memref_slice %arg6[%dma_start3A_237, %dma_start3A_249, %dma_start3A_250] : memref<4x16x1024xf32, #tpu.memory_space<vmem>> -> memref<1x16x1024xf32, #tpu.memory_space<vmem>>
    %dma_start3A_252 = tpu.memref_squeeze %dma_start3A_251 : memref<1x16x1024xf32, #tpu.memory_space<vmem>> -> memref<16x1024xf32, #tpu.memory_space<vmem>>
    tpu.enqueue_dma source(%dma_start3A_252 : memref<16x1024xf32, #tpu.memory_space<vmem>>) target(%dma_start3A_248 : memref<16x1024xf32, #tpu.memory_space<hbm>>) target_semaphore(%dma_start3A_246 : memref<!tpu.dma_semaphore, #tpu.memory_space<semaphore_mem>>)
    %dma_wait3A_253 = arith.constant 2 : i32
    %dma_wait3A_254 = arith.constant 2 : i32
    %dma_wait3A_255 = arith.constant 0 : i32
    %dma_wait3A_256 = arith.constant 0 : i32
    %dma_wait3A_257 = tpu.memref_slice %arg6[%dma_wait3A_253, %dma_wait3A_255, %dma_wait3A_256] : memref<4x16x1024xf32, #tpu.memory_space<vmem>> -> memref<1x16x1024xf32, #tpu.memory_space<vmem>>
    %dma_wait3A_258 = tpu.memref_squeeze %dma_wait3A_257 : memref<1x16x1024xf32, #tpu.memory_space<vmem>> -> memref<16x1024xf32, #tpu.memory_space<vmem>>
    %dma_wait3A_259 = arith.constant 0 : i32
    %dma_wait3A_260 = arith.constant 0 : i32
    %dma_wait3A_261 = tpu.memref_slice %arg3[%dma_wait3A_259, %dma_wait3A_260] : memref<16384x1024xf32, #tpu.memory_space<hbm>> -> memref<16x1024xf32, #tpu.memory_space<hbm>>
    %dma_wait3A_262 = tpu.memref_slice %arg7[%dma_wait3A_254] : memref<4x!tpu.dma_semaphore, #tpu.memory_space<semaphore_mem>> -> memref<1x!tpu.dma_semaphore, #tpu.memory_space<semaphore_mem>>
    %dma_wait3A_263 = tpu.memref_squeeze %dma_wait3A_262 : memref<1x!tpu.dma_semaphore, #tpu.memory_space<semaphore_mem>> -> memref<!tpu.dma_semaphore, #tpu.memory_space<semaphore_mem>>
    %dma_wait3A_264 = arith.constant 0 : i32
    %dma_wait3A_265 = arith.constant 0 : i32
    %dma_wait3A_266 = tpu.memref_slice %arg6[%dma_wait3A_253, %dma_wait3A_264, %dma_wait3A_265] : memref<4x16x1024xf32, #tpu.memory_space<vmem>> -> memref<1x16x1024xf32, #tpu.memory_space<vmem>>
    %dma_wait3A_267 = tpu.memref_squeeze %dma_wait3A_266 : memref<1x16x1024xf32, #tpu.memory_space<vmem>> -> memref<16x1024xf32, #tpu.memory_space<vmem>>
    %dma_wait3A_268 = arith.constant 0 : i32
    %dma_wait3A_269 = arith.constant 0 : i32
    %dma_wait3A_270 = tpu.memref_slice %arg3[%dma_wait3A_268, %dma_wait3A_269] : memref<16384x1024xf32, #tpu.memory_space<hbm>> -> memref<16x1024xf32, #tpu.memory_space<hbm>>
    tpu.wait_dma2 semaphore(%dma_wait3A_263 : memref<!tpu.dma_semaphore, #tpu.memory_space<semaphore_mem>>) src(%dma_wait3A_270 : memref<16x1024xf32, #tpu.memory_space<hbm>>) dst(%dma_wait3A_267 : memref<16x1024xf32, #tpu.memory_space<vmem>>)
    %add3A_271 = arith.constant 992 : i32
    %add3A_272 = arith.addi %add3A_35, %add3A_271 : i32
    %dma_start3A_273 = arith.constant 2 : i32
    %dma_start3A_274 = arith.constant 2 : i32
    %dma_start3A_275 = arith.constant 0 : i32
    %dma_start3A_276 = arith.constant 0 : i32
    %dma_start3A_277 = tpu.memref_slice %arg6[%dma_start3A_273, %dma_start3A_275, %dma_start3A_276] : memref<4x16x1024xf32, #tpu.memory_space<vmem>> -> memref<1x16x1024xf32, #tpu.memory_space<vmem>>
    %dma_start3A_278 = tpu.memref_squeeze %dma_start3A_277 : memref<1x16x1024xf32, #tpu.memory_space<vmem>> -> memref<16x1024xf32, #tpu.memory_space<vmem>>
    %dma_start3A_279 = arith.constant 0 : i32
    %dma_start3A_280 = tpu.memref_slice %arg4[%add3A_272, %dma_start3A_279] : memref<32768x1024xf32, #tpu.memory_space<hbm>> -> memref<16x1024xf32, #tpu.memory_space<hbm>>
    %dma_start3A_281 = tpu.memref_slice %arg8[%dma_start3A_274] : memref<4x!tpu.dma_semaphore, #tpu.memory_space<semaphore_mem>> -> memref<1x!tpu.dma_semaphore, #tpu.memory_space<semaphore_mem>>
    %dma_start3A_282 = tpu.memref_squeeze %dma_start3A_281 : memref<1x!tpu.dma_semaphore, #tpu.memory_space<semaphore_mem>> -> memref<!tpu.dma_semaphore, #tpu.memory_space<semaphore_mem>>
    %dma_start3A_283 = arith.constant 0 : i32
    %dma_start3A_284 = tpu.memref_slice %arg4[%add3A_272, %dma_start3A_283] : memref<32768x1024xf32, #tpu.memory_space<hbm>> -> memref<16x1024xf32, #tpu.memory_space<hbm>>
    %dma_start3A_285 = arith.constant 0 : i32
    %dma_start3A_286 = arith.constant 0 : i32
    %dma_start3A_287 = tpu.memref_slice %arg6[%dma_start3A_273, %dma_start3A_285, %dma_start3A_286] : memref<4x16x1024xf32, #tpu.memory_space<vmem>> -> memref<1x16x1024xf32, #tpu.memory_space<vmem>>
    %dma_start3A_288 = tpu.memref_squeeze %dma_start3A_287 : memref<1x16x1024xf32, #tpu.memory_space<vmem>> -> memref<16x1024xf32, #tpu.memory_space<vmem>>
    tpu.enqueue_dma source(%dma_start3A_288 : memref<16x1024xf32, #tpu.memory_space<vmem>>) target(%dma_start3A_284 : memref<16x1024xf32, #tpu.memory_space<hbm>>) target_semaphore(%dma_start3A_282 : memref<!tpu.dma_semaphore, #tpu.memory_space<semaphore_mem>>)
    %dma_wait3A_289 = arith.constant 3 : i32
    %dma_wait3A_290 = arith.constant 3 : i32
    %dma_wait3A_291 = arith.constant 0 : i32
    %dma_wait3A_292 = arith.constant 0 : i32
    %dma_wait3A_293 = tpu.memref_slice %arg6[%dma_wait3A_289, %dma_wait3A_291, %dma_wait3A_292] : memref<4x16x1024xf32, #tpu.memory_space<vmem>> -> memref<1x16x1024xf32, #tpu.memory_space<vmem>>
    %dma_wait3A_294 = tpu.memref_squeeze %dma_wait3A_293 : memref<1x16x1024xf32, #tpu.memory_space<vmem>> -> memref<16x1024xf32, #tpu.memory_space<vmem>>
    %dma_wait3A_295 = arith.constant 0 : i32
    %dma_wait3A_296 = arith.constant 0 : i32
    %dma_wait3A_297 = tpu.memref_slice %arg3[%dma_wait3A_295, %dma_wait3A_296] : memref<16384x1024xf32, #tpu.memory_space<hbm>> -> memref<16x1024xf32, #tpu.memory_space<hbm>>
    %dma_wait3A_298 = tpu.memref_slice %arg7[%dma_wait3A_290] : memref<4x!tpu.dma_semaphore, #tpu.memory_space<semaphore_mem>> -> memref<1x!tpu.dma_semaphore, #tpu.memory_space<semaphore_mem>>
    %dma_wait3A_299 = tpu.memref_squeeze %dma_wait3A_298 : memref<1x!tpu.dma_semaphore, #tpu.memory_space<semaphore_mem>> -> memref<!tpu.dma_semaphore, #tpu.memory_space<semaphore_mem>>
    %dma_wait3A_300 = arith.constant 0 : i32
    %dma_wait3A_301 = arith.constant 0 : i32
    %dma_wait3A_302 = tpu.memref_slice %arg6[%dma_wait3A_289, %dma_wait3A_300, %dma_wait3A_301] : memref<4x16x1024xf32, #tpu.memory_space<vmem>> -> memref<1x16x1024xf32, #tpu.memory_space<vmem>>
    %dma_wait3A_303 = tpu.memref_squeeze %dma_wait3A_302 : memref<1x16x1024xf32, #tpu.memory_space<vmem>> -> memref<16x1024xf32, #tpu.memory_space<vmem>>
    %dma_wait3A_304 = arith.constant 0 : i32
    %dma_wait3A_305 = arith.constant 0 : i32
    %dma_wait3A_306 = tpu.memref_slice %arg3[%dma_wait3A_304, %dma_wait3A_305] : memref<16384x1024xf32, #tpu.memory_space<hbm>> -> memref<16x1024xf32, #tpu.memory_space<hbm>>
    tpu.wait_dma2 semaphore(%dma_wait3A_299 : memref<!tpu.dma_semaphore, #tpu.memory_space<semaphore_mem>>) src(%dma_wait3A_306 : memref<16x1024xf32, #tpu.memory_space<hbm>>) dst(%dma_wait3A_303 : memref<16x1024xf32, #tpu.memory_space<vmem>>)
    %add3A_307 = arith.constant 1008 : i32
    %add3A_308 = arith.addi %add3A_35, %add3A_307 : i32
    %dma_start3A_309 = arith.constant 3 : i32
    %dma_start3A_310 = arith.constant 3 : i32
    %dma_start3A_311 = arith.constant 0 : i32
    %dma_start3A_312 = arith.constant 0 : i32
    %dma_start3A_313 = tpu.memref_slice %arg6[%dma_start3A_309, %dma_start3A_311, %dma_start3A_312] : memref<4x16x1024xf32, #tpu.memory_space<vmem>> -> memref<1x16x1024xf32, #tpu.memory_space<vmem>>
    %dma_start3A_314 = tpu.memref_squeeze %dma_start3A_313 : memref<1x16x1024xf32, #tpu.memory_space<vmem>> -> memref<16x1024xf32, #tpu.memory_space<vmem>>
    %dma_start3A_315 = arith.constant 0 : i32
    %dma_start3A_316 = tpu.memref_slice %arg4[%add3A_308, %dma_start3A_315] : memref<32768x1024xf32, #tpu.memory_space<hbm>> -> memref<16x1024xf32, #tpu.memory_space<hbm>>
    %dma_start3A_317 = tpu.memref_slice %arg8[%dma_start3A_310] : memref<4x!tpu.dma_semaphore, #tpu.memory_space<semaphore_mem>> -> memref<1x!tpu.dma_semaphore, #tpu.memory_space<semaphore_mem>>
    %dma_start3A_318 = tpu.memref_squeeze %dma_start3A_317 : memref<1x!tpu.dma_semaphore, #tpu.memory_space<semaphore_mem>> -> memref<!tpu.dma_semaphore, #tpu.memory_space<semaphore_mem>>
    %dma_start3A_319 = arith.constant 0 : i32
    %dma_start3A_320 = tpu.memref_slice %arg4[%add3A_308, %dma_start3A_319] : memref<32768x1024xf32, #tpu.memory_space<hbm>> -> memref<16x1024xf32, #tpu.memory_space<hbm>>
    %dma_start3A_321 = arith.constant 0 : i32
    %dma_start3A_322 = arith.constant 0 : i32
    %dma_start3A_323 = tpu.memref_slice %arg6[%dma_start3A_309, %dma_start3A_321, %dma_start3A_322] : memref<4x16x1024xf32, #tpu.memory_space<vmem>> -> memref<1x16x1024xf32, #tpu.memory_space<vmem>>
    %dma_start3A_324 = tpu.memref_squeeze %dma_start3A_323 : memref<1x16x1024xf32, #tpu.memory_space<vmem>> -> memref<16x1024xf32, #tpu.memory_space<vmem>>
    tpu.enqueue_dma source(%dma_start3A_324 : memref<16x1024xf32, #tpu.memory_space<vmem>>) target(%dma_start3A_320 : memref<16x1024xf32, #tpu.memory_space<hbm>>) target_semaphore(%dma_start3A_318 : memref<!tpu.dma_semaphore, #tpu.memory_space<semaphore_mem>>)
    %add3A_325 = arith.constant 960 : i32
    %add3A_326 = arith.addi %add3A_35, %add3A_325 : i32
    %dma_wait3A_327 = arith.constant 0 : i32
    %dma_wait3A_328 = arith.constant 0 : i32
    %dma_wait3A_329 = arith.constant 0 : i32
    %dma_wait3A_330 = arith.constant 0 : i32
    %dma_wait3A_331 = tpu.memref_slice %arg6[%dma_wait3A_327, %dma_wait3A_329, %dma_wait3A_330] : memref<4x16x1024xf32, #tpu.memory_space<vmem>> -> memref<1x16x1024xf32, #tpu.memory_space<vmem>>
    %dma_wait3A_332 = tpu.memref_squeeze %dma_wait3A_331 : memref<1x16x1024xf32, #tpu.memory_space<vmem>> -> memref<16x1024xf32, #tpu.memory_space<vmem>>
    %dma_wait3A_333 = arith.constant 0 : i32
    %dma_wait3A_334 = tpu.memref_slice %arg4[%add3A_326, %dma_wait3A_333] : memref<32768x1024xf32, #tpu.memory_space<hbm>> -> memref<16x1024xf32, #tpu.memory_space<hbm>>
    %dma_wait3A_335 = tpu.memref_slice %arg8[%dma_wait3A_328] : memref<4x!tpu.dma_semaphore, #tpu.memory_space<semaphore_mem>> -> memref<1x!tpu.dma_semaphore, #tpu.memory_space<semaphore_mem>>
    %dma_wait3A_336 = tpu.memref_squeeze %dma_wait3A_335 : memref<1x!tpu.dma_semaphore, #tpu.memory_space<semaphore_mem>> -> memref<!tpu.dma_semaphore, #tpu.memory_space<semaphore_mem>>
    %dma_wait3A_337 = arith.constant 0 : i32
    %dma_wait3A_338 = tpu.memref_slice %arg4[%add3A_326, %dma_wait3A_337] : memref<32768x1024xf32, #tpu.memory_space<hbm>> -> memref<16x1024xf32, #tpu.memory_space<hbm>>
    %dma_wait3A_339 = arith.constant 0 : i32
    %dma_wait3A_340 = arith.constant 0 : i32
    %dma_wait3A_341 = tpu.memref_slice %arg6[%dma_wait3A_327, %dma_wait3A_339, %dma_wait3A_340] : memref<4x16x1024xf32, #tpu.memory_space<vmem>> -> memref<1x16x1024xf32, #tpu.memory_space<vmem>>
    %dma_wait3A_342 = tpu.memref_squeeze %dma_wait3A_341 : memref<1x16x1024xf32, #tpu.memory_space<vmem>> -> memref<16x1024xf32, #tpu.memory_space<vmem>>
    tpu.wait_dma2 semaphore(%dma_wait3A_336 : memref<!tpu.dma_semaphore, #tpu.memory_space<semaphore_mem>>) src(%dma_wait3A_342 : memref<16x1024xf32, #tpu.memory_space<vmem>>) dst(%dma_wait3A_338 : memref<16x1024xf32, #tpu.memory_space<hbm>>)
    %add3A_343 = arith.constant 976 : i32
    %add3A_344 = arith.addi %add3A_35, %add3A_343 : i32
    %dma_wait3A_345 = arith.constant 1 : i32
    %dma_wait3A_346 = arith.constant 1 : i32
    %dma_wait3A_347 = arith.constant 0 : i32
    %dma_wait3A_348 = arith.constant 0 : i32
    %dma_wait3A_349 = tpu.memref_slice %arg6[%dma_wait3A_345, %dma_wait3A_347, %dma_wait3A_348] : memref<4x16x1024xf32, #tpu.memory_space<vmem>> -> memref<1x16x1024xf32, #tpu.memory_space<vmem>>
    %dma_wait3A_350 = tpu.memref_squeeze %dma_wait3A_349 : memref<1x16x1024xf32, #tpu.memory_space<vmem>> -> memref<16x1024xf32, #tpu.memory_space<vmem>>
    %dma_wait3A_351 = arith.constant 0 : i32
    %dma_wait3A_352 = tpu.memref_slice %arg4[%add3A_344, %dma_wait3A_351] : memref<32768x1024xf32, #tpu.memory_space<hbm>> -> memref<16x1024xf32, #tpu.memory_space<hbm>>
    %dma_wait3A_353 = tpu.memref_slice %arg8[%dma_wait3A_346] : memref<4x!tpu.dma_semaphore, #tpu.memory_space<semaphore_mem>> -> memref<1x!tpu.dma_semaphore, #tpu.memory_space<semaphore_mem>>
    %dma_wait3A_354 = tpu.memref_squeeze %dma_wait3A_353 : memref<1x!tpu.dma_semaphore, #tpu.memory_space<semaphore_mem>> -> memref<!tpu.dma_semaphore, #tpu.memory_space<semaphore_mem>>
    %dma_wait3A_355 = arith.constant 0 : i32
    %dma_wait3A_356 = tpu.memref_slice %arg4[%add3A_344, %dma_wait3A_355] : memref<32768x1024xf32, #tpu.memory_space<hbm>> -> memref<16x1024xf32, #tpu.memory_space<hbm>>
    %dma_wait3A_357 = arith.constant 0 : i32
    %dma_wait3A_358 = arith.constant 0 : i32
    %dma_wait3A_359 = tpu.memref_slice %arg6[%dma_wait3A_345, %dma_wait3A_357, %dma_wait3A_358] : memref<4x16x1024xf32, #tpu.memory_space<vmem>> -> memref<1x16x1024xf32, #tpu.memory_space<vmem>>
    %dma_wait3A_360 = tpu.memref_squeeze %dma_wait3A_359 : memref<1x16x1024xf32, #tpu.memory_space<vmem>> -> memref<16x1024xf32, #tpu.memory_space<vmem>>
    tpu.wait_dma2 semaphore(%dma_wait3A_354 : memref<!tpu.dma_semaphore, #tpu.memory_space<semaphore_mem>>) src(%dma_wait3A_360 : memref<16x1024xf32, #tpu.memory_space<vmem>>) dst(%dma_wait3A_356 : memref<16x1024xf32, #tpu.memory_space<hbm>>)
    %add3A_361 = arith.constant 992 : i32
    %add3A_362 = arith.addi %add3A_35, %add3A_361 : i32
    %dma_wait3A_363 = arith.constant 2 : i32
    %dma_wait3A_364 = arith.constant 2 : i32
    %dma_wait3A_365 = arith.constant 0 : i32
    %dma_wait3A_366 = arith.constant 0 : i32
    %dma_wait3A_367 = tpu.memref_slice %arg6[%dma_wait3A_363, %dma_wait3A_365, %dma_wait3A_366] : memref<4x16x1024xf32, #tpu.memory_space<vmem>> -> memref<1x16x1024xf32, #tpu.memory_space<vmem>>
    %dma_wait3A_368 = tpu.memref_squeeze %dma_wait3A_367 : memref<1x16x1024xf32, #tpu.memory_space<vmem>> -> memref<16x1024xf32, #tpu.memory_space<vmem>>
    %dma_wait3A_369 = arith.constant 0 : i32
    %dma_wait3A_370 = tpu.memref_slice %arg4[%add3A_362, %dma_wait3A_369] : memref<32768x1024xf32, #tpu.memory_space<hbm>> -> memref<16x1024xf32, #tpu.memory_space<hbm>>
    %dma_wait3A_371 = tpu.memref_slice %arg8[%dma_wait3A_364] : memref<4x!tpu.dma_semaphore, #tpu.memory_space<semaphore_mem>> -> memref<1x!tpu.dma_semaphore, #tpu.memory_space<semaphore_mem>>
    %dma_wait3A_372 = tpu.memref_squeeze %dma_wait3A_371 : memref<1x!tpu.dma_semaphore, #tpu.memory_space<semaphore_mem>> -> memref<!tpu.dma_semaphore, #tpu.memory_space<semaphore_mem>>
    %dma_wait3A_373 = arith.constant 0 : i32
    %dma_wait3A_374 = tpu.memref_slice %arg4[%add3A_362, %dma_wait3A_373] : memref<32768x1024xf32, #tpu.memory_space<hbm>> -> memref<16x1024xf32, #tpu.memory_space<hbm>>
    %dma_wait3A_375 = arith.constant 0 : i32
    %dma_wait3A_376 = arith.constant 0 : i32
    %dma_wait3A_377 = tpu.memref_slice %arg6[%dma_wait3A_363, %dma_wait3A_375, %dma_wait3A_376] : memref<4x16x1024xf32, #tpu.memory_space<vmem>> -> memref<1x16x1024xf32, #tpu.memory_space<vmem>>
    %dma_wait3A_378 = tpu.memref_squeeze %dma_wait3A_377 : memref<1x16x1024xf32, #tpu.memory_space<vmem>> -> memref<16x1024xf32, #tpu.memory_space<vmem>>
    tpu.wait_dma2 semaphore(%dma_wait3A_372 : memref<!tpu.dma_semaphore, #tpu.memory_space<semaphore_mem>>) src(%dma_wait3A_378 : memref<16x1024xf32, #tpu.memory_space<vmem>>) dst(%dma_wait3A_374 : memref<16x1024xf32, #tpu.memory_space<hbm>>)
    %add3A_379 = arith.constant 1008 : i32
    %add3A_380 = arith.addi %add3A_35, %add3A_379 : i32
    %dma_wait3A_381 = arith.constant 3 : i32
    %dma_wait3A_382 = arith.constant 3 : i32
    %dma_wait3A_383 = arith.constant 0 : i32
    %dma_wait3A_384 = arith.constant 0 : i32
    %dma_wait3A_385 = tpu.memref_slice %arg6[%dma_wait3A_381, %dma_wait3A_383, %dma_wait3A_384] : memref<4x16x1024xf32, #tpu.memory_space<vmem>> -> memref<1x16x1024xf32, #tpu.memory_space<vmem>>
    %dma_wait3A_386 = tpu.memref_squeeze %dma_wait3A_385 : memref<1x16x1024xf32, #tpu.memory_space<vmem>> -> memref<16x1024xf32, #tpu.memory_space<vmem>>
    %dma_wait3A_387 = arith.constant 0 : i32
    %dma_wait3A_388 = tpu.memref_slice %arg4[%add3A_380, %dma_wait3A_387] : memref<32768x1024xf32, #tpu.memory_space<hbm>> -> memref<16x1024xf32, #tpu.memory_space<hbm>>
    %dma_wait3A_389 = tpu.memref_slice %arg8[%dma_wait3A_382] : memref<4x!tpu.dma_semaphore, #tpu.memory_space<semaphore_mem>> -> memref<1x!tpu.dma_semaphore, #tpu.memory_space<semaphore_mem>>
    %dma_wait3A_390 = tpu.memref_squeeze %dma_wait3A_389 : memref<1x!tpu.dma_semaphore, #tpu.memory_space<semaphore_mem>> -> memref<!tpu.dma_semaphore, #tpu.memory_space<semaphore_mem>>
    %dma_wait3A_391 = arith.constant 0 : i32
    %dma_wait3A_392 = tpu.memref_slice %arg4[%add3A_380, %dma_wait3A_391] : memref<32768x1024xf32, #tpu.memory_space<hbm>> -> memref<16x1024xf32, #tpu.memory_space<hbm>>
    %dma_wait3A_393 = arith.constant 0 : i32
    %dma_wait3A_394 = arith.constant 0 : i32
    %dma_wait3A_395 = tpu.memref_slice %arg6[%dma_wait3A_381, %dma_wait3A_393, %dma_wait3A_394] : memref<4x16x1024xf32, #tpu.memory_space<vmem>> -> memref<1x16x1024xf32, #tpu.memory_space<vmem>>
    %dma_wait3A_396 = tpu.memref_squeeze %dma_wait3A_395 : memref<1x16x1024xf32, #tpu.memory_space<vmem>> -> memref<16x1024xf32, #tpu.memory_space<vmem>>
    tpu.wait_dma2 semaphore(%dma_wait3A_390 : memref<!tpu.dma_semaphore, #tpu.memory_space<semaphore_mem>>) src(%dma_wait3A_396 : memref<16x1024xf32, #tpu.memory_space<vmem>>) dst(%dma_wait3A_392 : memref<16x1024xf32, #tpu.memory_space<hbm>>)
    return
  }
}

</mosaic_0001>

<sc_bundles>
// kernel: kernel.3.cloned.1.call-start
scs
__scs_entry_jumppad:
0x0: {  	(pc) =	sbr.rel $0x88, $3  }
0x1: {  	(tag) =	ssettag $0x0;
	lr =	simm.s32 $0x1  }
0x2: {  	[smem:$0x3F9F] =	sst lr;
	_ =	strace $0xD0000000  }
0x3: {  	_ = 	snop  }
0x4: {  	_ = 	snop  }
0x5: {  	_ = 	snop  }
0x6: {  	_ = 	snop  }
0x7: {  	_ = 	snop  }
__scs_overlays_trampoline_lowered:
0x8: {  	[smem:$0x3FAE] =	sst s0  }
0x9: {  	[smem:$0x3FAF] =	sst s1  }
0xa: {  	[smem:$0x3FB0] =	sst s2  }
0xb: {  	[smem:$0x3FB1] =	sst s3  }
0xc: {  	[smem:$0x3FB2] =	sst s4  }
0xd: {  	[smem:$0x3FB3] =	sst s5  }
0xe: {  	[smem:$0x3FB4] =	sst s6  }
0xf: {  	[smem:$0x3FB5] =	sst s7  }
0x10: {  	[smem:$0x3FB6] =	sst s8  }
0x11: {  	[smem:$0x3FB7] =	sst s9;
	s0 =	simm.s32 @!p0 $0x0  }
0x12: {  	s1 =	sld [smem:$0x3F9D];
	s0 =	simm.s32 @p0 $0x1  }
0x13: {  	[smem:$0x3FB8] =	sst s0;
	s0 =	simm.s32 @!p1 $0x0  }
0x14: {  	s2 =	sld [smem:$0x3F9C];
	s0 =	simm.s32 @p1 $0x1  }
0x15: {  	[smem:$0x3FB9] =	sst s0;
	s0 =	simm.s32 @!p2 $0x0  }
0x16: {  	s3 =	sld [smem:$0x3FDB];
	s0 =	simm.s32 @p2 $0x1  }
0x17: {  	s4 =	simm.s32 $0x1BF5;
	[smem:$0x3FBB] =	sst s0  }
0x18: {  	s0 =	sld [smem:$0x3F9E];
	_ =	swait.ge [sflag:s4], $0x0  }
0x19: {  	s7 =	sld [smem:$0x3F9F]  }
0x1a: {  	s8 =	sadd.s32 $0xFFFFE003, lr  }
0x1b: {  	s9 =	sadd.s32 $0xFFFFFEF7, lr;
	s5 =	simm.s32 $0xFFFFFFFF;
	p2 =	slt.u32 s8, $0xFFFFF086  }
0x1c: {  	p1 =	slt.u32 s9, $0xF7A;
	s5 =	simm.s32 @!p2 $0x0  }
0x1d: {  	s5 =	simm.s32 @p1 $0x1;
	p0 =	seq.s32 s7, s2  }
0x1e: {  	s7 =	smul.u32 @!p0 $0xF7A, s2;
	p2 =	seq.s32 @!p0 s5, $0x0  }
0x1f: {  	s9 =	smul.u32 $0xF7A, s1;
	s8 =	simm.s32 @!p0 $0x1BF5;
	p2 =	por !p2, p0  }
0x20: {  	[sflag:s8] =	ssyncset.s32 @!p0 $0xFFFFF086;
	s6 =	sadd.s32 @!p0 s3, s7;
	s7 =	simm.s32 @!p0 $0x108  }
0x21: {  	s3 =	sadd.s32 s3, s9;
	s6 =	sadd.s32 @!p0 $0x88, s6;
	s7 =	simm.s32 @p2 $0x1082  }
0x22: {  	[simem:s7], [sflag:s8] =	dma.local @!p0 [hbm:s6], $0xF7A  }
0x23: {  	s9 =	sor.u32 $0xD0000000, s2;
	s6 =	simm.s32 $0x108;
	_ =	swait.ge @!p0 [sflag:s8], $0x0  }
0x24: {  	s3 =	sadd.s32 $0x88, s3;
	s6 =	simm.s32 @!p1 $0x1082;
	[sflag:s4] =	ssyncset.s32 $0xFFFFF086  }
0x25: {  	[simem:s6], [sflag:s4] =	dma.local [hbm:s3], $0xF7A  }
0x26: {  	[smem:$0x3F9F] =	sst s1;
	(tag) =	ssettag s2;
	_ =	strace s9  }
0x27: {  	s1 =	sld [smem:$0x3FAF]  }
0x28: {  	s2 =	sld [smem:$0x3FB0]  }
0x29: {  	s4 =	sld [smem:$0x3FB2]  }
0x2a: {  	p0 =	seq.s32 s5, $0x0;
	s5 =	sld [smem:$0x3FB3]  }
0x2b: {  	s6 =	sld [smem:$0x3FB4]  }
0x2c: {  	s7 =	sld [smem:$0x3FB5]  }
0x2d: {  	s3 =	simm.s32 $0x108;
	s8 =	sld [smem:$0x3FB6]  }
0x2e: {  	s3 =	simm.s32 @!p0 $0x1082;
	s9 =	sld [smem:$0x3FB7]  }
0x2f: {  	lr =	sadd.s32 s0, s3;
	s0 =	sld [smem:$0x3FAE]  }
0x30: {  	s3 =	sld [smem:$0x3FB1]  }
0x31: {  	[smem:$0x3FBA] =	sst s10  }
0x32: {  	s10 =	sld [smem:$0x3FB8];
	_ =	sdelay $0x3  }
0x33: {  	p0 =	seq.s32 s10, $0x1;
	s10 =	sld [smem:$0x3FBA];
	_ =	sdelay $0x3  }
0x34: {  	[smem:$0x3FBA] =	sst s10  }
0x35: {  	s10 =	sld [smem:$0x3FB9];
	_ =	sdelay $0x3  }
0x36: {  	p1 =	seq.s32 s10, $0x1;
	s10 =	sld [smem:$0x3FBA];
	_ =	sdelay $0x3  }
0x37: {  	[smem:$0x3FBA] =	sst s10  }
0x38: {  	s10 =	sld [smem:$0x3FBB]  }
0x39: {  	_ = 	snop;
	(pc) =	sbr.ind lr, $3  }
0x3a: {  	_ = 	snop  }
0x3b: {  	_ = 	snop  }
0x3c: {  	p2 =	seq.s32 s10, $0x1;
	s10 =	sld [smem:$0x3FBA]  }
0x3d: {  	_ =	shalt  }
0x3e: {  	_ =	shalt  }
0x3f: {  	_ =	shalt  }
0x40: {  	_ =	shalt  }
0x41: {  	_ =	shalt  }
0x42: {  	_ =	shalt  }
0x43: {  	_ =	shalt  }
0x44: {  	_ =	shalt  }
0x45: {  	_ =	shalt  }
0x46: {  	_ =	shalt  }
0x47: {  	_ =	shalt  }
0x48: {  	_ =	shalt  }
0x49: {  	_ =	shalt  }
0x4a: {  	_ =	shalt  }
0x4b: {  	_ =	shalt  }
0x4c: {  	_ =	shalt  }
0x4d: {  	_ =	shalt  }
0x4e: {  	_ =	shalt  }
0x4f: {  	_ =	shalt  }
0x50: {  	_ =	shalt  }
0x51: {  	_ =	shalt  }
0x52: {  	_ =	shalt  }
0x53: {  	_ =	shalt  }
0x54: {  	_ =	shalt  }
0x55: {  	_ =	shalt  }
0x56: {  	_ =	shalt  }
0x57: {  	_ =	shalt  }
0x58: {  	_ =	shalt  }
0x59: {  	_ =	shalt  }
0x5a: {  	_ =	shalt  }
0x5b: {  	_ =	shalt  }
0x5c: {  	_ =	shalt  }
0x5d: {  	_ =	shalt  }
0x5e: {  	_ =	shalt  }
0x5f: {  	_ =	shalt  }
0x60: {  	_ =	shalt  }
0x61: {  	_ =	shalt  }
0x62: {  	_ =	shalt  }
0x63: {  	_ =	shalt  }
0x64: {  	_ =	shalt  }
0x65: {  	_ =	shalt  }
0x66: {  	_ =	shalt  }
0x67: {  	_ =	shalt  }
0x68: {  	_ =	shalt  }
0x69: {  	_ =	shalt  }
0x6a: {  	_ =	shalt  }
0x6b: {  	_ =	shalt  }
0x6c: {  	_ =	shalt  }
0x6d: {  	_ =	shalt  }
0x6e: {  	_ =	shalt  }
0x6f: {  	_ =	shalt  }
0x70: {  	_ =	shalt  }
0x71: {  	_ =	shalt  }
0x72: {  	_ =	shalt  }
0x73: {  	_ =	shalt  }
0x74: {  	_ =	shalt  }
0x75: {  	_ =	shalt  }
0x76: {  	_ =	shalt  }
0x77: {  	_ =	shalt  }
0x78: {  	_ =	shalt  }
0x79: {  	_ =	shalt  }
0x7a: {  	_ =	shalt  }
0x7b: {  	_ =	shalt  }
0x7c: {  	_ =	shalt  }
0x7d: {  	_ =	shalt  }
0x7e: {  	_ =	shalt  }
0x7f: {  	_ =	shalt  }
0x80: {  	_ =	shalt  }
0x81: {  	_ =	shalt  }
0x82: {  	_ =	shalt  }
0x83: {  	_ =	shalt  }
0x84: {  	_ =	shalt  }
0x85: {  	_ =	shalt  }
0x86: {  	_ =	shalt  }
0x87: {  	_ =	shalt  }
.Lfunc_end0:
.L_simem_size_0:
called_computation_lowered:
.L_overlay_start_0:
0x88: {  	s2 =	sld [smem:$0x3FD9]  }
0x89: {  	s3 =	sld [smem:$0x3FFE];
	_ =	sdelay $0x1  }
0x8a: {  	s1 =	srdreg.scid  }
0x8b: {  	s0 =	sand.u32 $0x1, s1  }
0x8c: {  	s18 =	sshll.u32 s0, $0xA;
	s2 =	sadd.s32 s3, s2  }
0x8d: {  	s2 =	sadd.s32 s2, s18  }
0x8e: {  	[smem:$0x3FC6] =	sst s2  }
0x8f: {  	_ = 	snop  }
0x90: {  	s2 =	sld [smem:$0x3FC9]  }
0x91: {  	s19 =	sld [smem:$0x3FC8]  }
0x92: {  	s4 =	sld [smem:$0x3FD0];
	(tm) =	ssettm $0x1  }
0x93: {  	s5 =	sld [smem:$0x3FFB];
	_ =	sdelay $0x3  }
0x94: {  	_ =	strace s5  }
0x95: {  	s5 =	sld [smem:$0x3FFC];
	_ =	sdelay $0x3  }
0x96: {  	_ =	strace s5  }
0x97: {  	s5 =	sld [smem:$0x3FFD];
	_ =	sdelay $0x3  }
0x98: {  	_ =	strace s5  }
0x99: {  	_ =	strace $0x8FFFFFFF  }
0x9a: {  	s20 =	sld [smem:$0x3FDB];
	_ =	sdelay $0x1  }
0x9b: {  	s6 =	simm.s32 $_scs_section_size  }
0x9c: {  	s7 =	simm.s32 $_size__tile_overlayer_lowered;
	s8 =	simm.s32 $_tile_overlayer_lowered  }
0x9d: {  	s23 =	simm.s32 $0x1BFF;
	s22 =	sshll.u32 s8, $0x1;
	s5 =	sadd.s32 s6, s20  }
0x9e: {  	s9 =	simm.s32 $0x0;
	s21 =	sshll.u32 s7, $0x1;
	s7 =	sadd.s32 s22, s5  }
0x9f: {  	[timem:s9], [sflag:s23] =	dma.local [hbm:s7], s21  }
0xa0: {  	_ =	swait.ge [sflag:s23], s21  }
0xa1: {  	s6 =	ssub.s32 $0x0, s21;
	[sflag:s23] =	ssyncset.done $0x0  }
0xa2: {  	[sflag:s23] =	ssyncadd.s32 s6;
	_ =	sdelay $0x1  }
0xa3: {  	s24 =	simm.s32 $0x1B8B  }
0xa4: {  	_ =	swait.ge [sflag:s24], $0x1  }
0xa5: {  	[sflag:s24] =	ssyncset.done $0x0  }
0xa6: {  	s25 =	simm.s32 $0x1B8E;
	[sflag:s24] =	ssyncadd.s32 $0xFFFFFFFF  }
0xa7: {  	s26 =	simm.s32 $execute0_lowered;
	[smem:$0x3FD2] =	sst s25  }
0xa8: {  	s6 =	sshll.u32 s26, $0x1;
	_ =	strace $0x80000046;
	[dreg:$0x1] =	wrdreg $0xFFFFFFFF  }
0xa9: {  	s28 =	simm.s32 $_size_execute0_lowered;
	s5 =	sadd.s32 s5, s6;
	[dreg:$0x0] =	wrdreg $0x0  }
0xaa: {  	s6 =	sshll.u32 s28, $0x1;
	[dreg:$0x2] =	wrdreg s5  }
0xab: {  	[dreg:$0x3] =	wrdreg s6  }
0xac: {  	[dreg:$0x4] =	wrdreg $0xC0  }
0xad: {  	_ =	task [dreg:s9], $0x5FFFF  }
0xae: {  	[dreg:$0x1] =	wrdreg $0xFFFFFFFF  }
0xaf: {  	[dreg:$0x0] =	wrdreg $0x60  }
0xb0: {  	[dreg:$0x2] =	wrdreg s2  }
0xb1: {  	[dreg:$0x3] =	wrdreg s19  }
0xb2: {  	[dreg:$0x4] =	wrdreg s4  }
0xb3: {  	[dreg:$0x5] =	wrdreg $0x9  }
0xb4: {  	_ =	task.clear_ibuf [dreg:s9], $0x6FFFF;
	_ =	strace $0x90000046  }
0xb5: {  	s29 =	simm.s32 $0x9;
	_ =	strace $0x80000048  }
0xb6: {  	_ =	swait.ge [sflag:s29], $0x1  }
0xb7: {  	[sflag:s29] =	ssyncadd.s32 $0xFFFFFFFF  }
0xb8: {  	_ =	strace $0x90000048  }
0xb9: {  	_ =	sfence  }
0xba: {  	s30 =	sld [smem:$0x0];
	_ =	sdelay $0x2  }
0xbb: {  	s31 =	sshll.u32 s1, $0xD;
	s1 =	sshrl.u32 s1, $0x2  }
0xbc: {  	s3 =	sand.u32 $0x4000, s31;
	s1 =	sadd.s32 s1, s30  }
0xbd: {  	s0 =	sor.u32 s3, s0;
	s1 =	sshll.u32 s1, $0x11  }
0xbe: {  	s0 =	sor.u32 s1, s0  }
0xbf: {  	s0 =	sadd.s32 $0x8F2B, s0  }
0xc0: {  	[sflag:s0] =	ssyncadd.remote.s32 $0x1  }
0xc1: {  	_ =	sfence.sel $0xFFFF  }
0xc2: {  	[dreg:$0x0] =	wrdreg $0xFFFFFFFF;
	(pc) =	sbr.abs _section_cstart, $3  }
0xc3: {  	[dreg:$0x1] =	wrdreg $0xFFFFFFFF  }
0xc4: {  	_ =	task.clear_ibuf [dreg:s9], $0x2FFFF;
	_ =	strace $0x9FFFFFFF  }
0xc5: {  	(tm) =	ssettm $0x7FFFFFFF  }
tec
execute0_lowered:
.L_overlay_start_1:
0x0: {  	(tag) =	ssettag $0x1  }
0x1: {  	s0 =	rddreg [dreg:$0x0]  }
0x2: {  	s1 =	rddreg [dreg:$0x1]  }
0x3: {  	s2 =	rddreg [dreg:$0x2];
	s3 =	simm.s32 $0x0;
	s4 =	srdreg.scid  }
0x4: {  	s12 =	stileid.u32;
	s13 =	simm.s32 $0x3800;
	s14 =	simm.s32 $0x4000  }
0x5: {  	s28 =	simm.s32 $0x3;
	s29 =	simm.s32 $0x4;
	s30 =	simm.s32 $0x5  }
0x6: {  	s31 =	simm.s32 $0x6;
	[smem:$0x7FF] =	sst s3;
	s5 =	sand.u32 $0x1, s4  }
0x7: {  	s15 =	sshll.u32 s12, $0xA;
	s10 =	sand.u32 $0x7, s12;
	s9 =	sadd.s32 $0x300, s1  }
0x8: {  	s18 =	sshll.u32 s12, $0x11;
	s12 =	simm.s32 $0x3000;
	_ =	strace $0x80000047  }
0x9: {  	s6 =	ssub.s32 $0x2, s5;
	s7 =	sshll.u32 s5, $0xE;
	s4 =	sand.u32 $0x2000, s15  }
0xa: {  	s24 =	sshll.u32 s10, $0xA;
	s16 =	sshll.u32 s10, $0x6;
	s5 =	sshll.u32 s5, $0x15  }
0xb: {  	s20 =	sand.u32 $0x100000, s18;
	s22 =	sshll.u32 s10, $0x11;
	p0 =	seq.s32 s10, $0x0  }
0xc: {  	s18 =	simm.s32 $0x4800;
	s15 =	simm.s32 $0x8800;
	s10 =	simm.s32 $0x0  }
0xd: {  	s8 =	sshrl.u32 s6, $0x1;
	s7 =	sor.u32 s7, s4;
	[dreg:$0x6] =	wrdreg s16  }
0xe: {  	s4 =	simm.s32 $0x6000;
	s16 =	simm.s32 $0x7800;
	s6 =	ssub.s32 s6, s8  }
0xf: {  	s11 =	sor.u32 s24, s7;
	s7 =	sshrl.u32 s7, $0x3;
	s8 =	sadd.s32 $0x200, s1  }
0x10: {  	s0 =	sadd.s32 s0, s7;
	s7 =	sadd.s32 $0x100, s1;
	s17 =	sshll.u32 s11, $0x7  }
0x11: {  	s26 =	smax.u32 s6, $0x1;
	[dreg:$0x5] =	wrdreg s0;
	s0 =	sadd.s32 s17, s2  }
0x12: {  	s2 =	sadd.s32 s5, s2;
	[dreg:$0xb] =	wrdreg s26;
	s19 =	sadd.s32 $0x1E000, s0  }
0x13: {  	s17 =	simm.s32 $0x2800;
	s21 =	sadd.s32 $0x1E800, s0;
	[dreg:$0x7] =	wrdreg s19  }
0x14: {  	s26 =	simm.s32 $0x2;
	s23 =	sadd.s32 $0x1F000, s0;
	[dreg:$0x8] =	wrdreg s21  }
0x15: {  	s5 =	simm.s32 $0x8;
	s0 =	sadd.s32 $0x1F800, s0;
	[dreg:$0x9] =	wrdreg s23  }
0x16: {  	s2 =	sadd.s32 s20, s2;
	s20 =	simm.s32 $0x5800;
	[dreg:$0xa] =	wrdreg s0  }
0x17: {  	v3 =	vlaneseq.u32;
	s25 =	sadd.s32 s22, s2;
	s23 =	simm.s32 $0x2000;
	s19 =	simm.s32 $0x5000  }
0x18: {  	vm0 =	vmmov $0xffff;
	v0 =	vimm.s32 $0x0;
	v2 =	vshrl.u32 v3, $0x3;
	s21 =	simm.s32 $0x6800;
	s22 =	simm.s32 $0x7000;
	s2 =	simm.s32 $0x8000  }
0x19: {  	v1 =	vand.u32 $0x7, v3;
	v3 =	vor.u32 $0x8, v3;
	v2 =	vmul.u32 $0x8, v2;
	s0 =	simm.s32 $0x7;
	[dreg:$0x4] =	wrdreg s25;
	s25 =	simm.s32 $0x1  }
.LBB2_1:
0x1a: {  	[dreg:$0xc] =	wrdreg s10  }
.Ltmp0:
0x1b: {  	s6 =	rddreg [dreg:$0x5];
	s11 =	simm.s32 $0x9;
	(pc) =	sbr.rel @p0 .LBB2_5-.Ltmp0, $4  }
0x1c: {  	[tilespmem:s3], [sflag:$0x9] =	stream.linear.gather [hbm4b:s6+s3], $0x2000, $0x38;
	[tilespmem:$0x12000] =	vst v63  }
0x1d: {  	_ =	swait.ge [sflag:s11], $0x2000  }
0x1e: {  	[sflag:s11] =	ssyncset.done $0x0  }
0x1f: {  	v4 =	vimm.s32 $0x0;
	[sflag:s11] =	ssyncadd.s32 $0xFFFFE000  }
0x20: {  	s6 =	rddreg [dreg:$0x6]  }
0x21: {  	v4 =	vld [tilespmem:s3+$0x0];
	p1 =	sne.s32 s6, $0x1  }
.Ltmp1:
0x22: {  	_ = 	snop;
	(pc) =	sbr.rel @!p1 .LBB2_4-.Ltmp1, $2  }
0x23: {  	_ =	sdelay $0x2  }
0x24: {  	s11 =	sadd.s32 $0x10, s3;
	s10 =	sadd.s32 $0xFFFFFFFF, s6;
	vm1 =	vne.s32 v4, $0x1;
	v4 =	vimm.s32 $0x0  }
.LBB2_3:
0x25: {  	v5 =	vld [tilespmem:s11+$0x0];
	p1 =	sne.s32 s10, $0x1;
	s10 =	sadd.s32 $0xFFFFFFFF, s10;
	v6 =	vsel vm1, $0x1, v0  }
.Ltmp2:
0x26: {  	v4 =	vadd.s32 v6, v4;
	(pc) =	sbr.rel @p1 .LBB2_3-.Ltmp2, $2  }
0x27: {  	_ =	sdelay $0x2  }
0x28: {  	s11 =	sadd.s32 $0x10, s11;
	vm1 =	vne.s32 v5, $0x1  }
.LBB2_4:
0x29: {  	v5 =	vsel vm1, $0x1, v0  }
0x2a: {  	v4 =	vadd.s32 v5, v4  }
.LBB2_5:
0x2b: {  	v5 =	vld [tilespmem:s24+$0x0];
	_ =	sdelay $0x3  }
0x2c: {  	(xrf0) =	vadd.scan.msk.s32 $0xffff, v4  }
0x2d: {  	vm1 =	vne.s32 v5, $0x1  }
0x2e: {  	v4 =	vsel vm1, $0x1, v0  }
0x2f: {  	(xrf0) =	vadd.scan.msk.s32 $0xffff, v4;
	_ =	sdelay $0x2  }
0x30: {  	v4, _, _ =	vpop (xrf0)  }
0x31: {  	v5 =	vadd.s32 $0x1, v4  }
0x32: {  	v5 =	vbroadcast v5, $0xF  }
0x33: {  	v6, _, _ =	vpop (xrf0)  }
0x34: {  	v5 =	vadd.s32 v6, v5  }
0x35: {  	v5 =	vnsel vm1, $0x1, v5  }
0x36: {  	v7 =	vshll.u32 v5, $0x3  }
0x37: {  	v5 =	vand.u32 $0x7, v5;
	v7 =	vand.u32 $0xFFFFFFC0, v7  }
0x38: {  	v5 =	vor.u32 v5, v7  }
0x39: {  	v7 =	vperm.xlane v5, v1;
	_ =	sdelay $0x1  }
0x3a: {  	v7 =	vadd.s32 v2, v7;
	_ =	sdelay $0x3  }
0x3b: {  	s10 =	simm.s32 $0x0  }
0x3c: {  	[tilespmem:s23], [sflag:$0x1] =	stream.indirect_vreg.gather [hbm4b:s1+s10], $0x80, v7, vm0, $0xb8;
	[tilespmem:$0x12000] =	vst v63  }
0x3d: {  	v5 =	vperm.xlane v5, v3  }
0x3e: {  	[tilespmem:s17], [sflag:$0x1] =	stream.indirect_vreg.gather [hbm4b:s7+s10], $0x80, v7, vm0, $0xb8;
	[tilespmem:$0x12000] =	vst v63  }
0x3f: {  	v5 =	vadd.s32 v2, v5  }
0x40: {  	[tilespmem:s12], [sflag:$0x1] =	stream.indirect_vreg.gather [hbm4b:s8+s10], $0x80, v7, vm0, $0xb8;
	[tilespmem:$0x12000] =	vst v63  }
0x41: {  	_ = 	snop  }
0x42: {  	[tilespmem:s13], [sflag:$0x1] =	stream.indirect_vreg.gather [hbm4b:s9+s10], $0x80, v7, vm0, $0xb8;
	[tilespmem:$0x12000] =	vst v63  }
0x43: {  	(v2sf) =	vpush v4, $0xF  }
0x44: {  	(v2sf) =	vpush v6, $0xF;
	[tilespmem:s14], [sflag:$0x1] =	stream.indirect_vreg.gather [hbm4b:s1+s10], $0x80, v5, vm0, $0xb8;
	[tilespmem:$0x12000] =	vst v63  }
0x45: {  	_ = 	snop  }
0x46: {  	[tilespmem:s18], [sflag:$0x1] =	stream.indirect_vreg.gather [hbm4b:s7+s10], $0x80, v5, vm0, $0xb8;
	[tilespmem:$0x12000] =	vst v63  }
0x47: {  	_ = 	snop  }
0x48: {  	[tilespmem:s19], [sflag:$0x1] =	stream.indirect_vreg.gather [hbm4b:s8+s10], $0x80, v5, vm0, $0xb8;
	[tilespmem:$0x12000] =	vst v63  }
0x49: {  	_ = 	snop  }
0x4a: {  	[tilespmem:s20], [sflag:$0x1] =	stream.indirect_vreg.gather [hbm4b:s9+s10], $0x80, v5, vm0, $0xb8;
	[tilespmem:$0x12000] =	vst v63  }
0x4b: {  	v4 =	vld [tilespmem:s24+$0x10];
	_ =	sdelay $0x4  }
0x4c: {  	vm1 =	vne.s32 v4, $0x1  }
0x4d: {  	v4 =	vsel vm1, $0x1, v0  }
0x4e: {  	s11 =	spop (v2sf);
	(xrf0) =	vadd.scan.msk.s32 $0xffff, v4  }
0x4f: {  	s14 =	spop (v2sf)  }
0x50: {  	s11 =	sadd.s32 s11, s14  }
0x51: {  	v4 =	vmov s11  }
0x52: {  	v4 =	vadd.s32 $0x1, v4  }
0x53: {  	v4 =	vbroadcast v4, $0x0  }
0x54: {  	v5, _, _ =	vpop (xrf0)  }
0x55: {  	v4 =	vadd.s32 v5, v4  }
0x56: {  	v4 =	vnsel vm1, $0x1, v4  }
0x57: {  	v61 =	vshll.u32 v4, $0x3  }
0x58: {  	v4 =	vand.u32 $0x7, v4;
	v6 =	vand.u32 $0xFFFFFFC0, v61  }
0x59: {  	v4 =	vor.u32 v4, v6  }
0x5a: {  	v6 =	vperm.xlane v4, v1;
	_ =	sdelay $0x1  }
0x5b: {  	v6 =	vadd.s32 v2, v6;
	_ =	sdelay $0x4  }
0x5c: {  	[tilespmem:s4], [sflag:$0x2] =	stream.indirect_vreg.gather [hbm4b:s1+s10], $0x80, v6, vm0, $0xb8;
	[tilespmem:$0x12000] =	vst v63  }
0x5d: {  	v4 =	vperm.xlane v4, v3  }
0x5e: {  	[tilespmem:s21], [sflag:$0x2] =	stream.indirect_vreg.gather [hbm4b:s7+s10], $0x80, v6, vm0, $0xb8;
	[tilespmem:$0x12000] =	vst v63  }
0x5f: {  	v4 =	vadd.s32 v2, v4  }
0x60: {  	[tilespmem:s22], [sflag:$0x2] =	stream.indirect_vreg.gather [hbm4b:s8+s10], $0x80, v6, vm0, $0xb8;
	[tilespmem:$0x12000] =	vst v63  }
0x61: {  	_ = 	snop  }
0x62: {  	[tilespmem:s16], [sflag:$0x2] =	stream.indirect_vreg.gather [hbm4b:s9+s10], $0x80, v6, vm0, $0xb8;
	[tilespmem:$0x12000] =	vst v63  }
0x63: {  	_ = 	snop  }
0x64: {  	(v2sf) =	vpush v5, $0xF;
	[tilespmem:s2], [sflag:$0x2] =	stream.indirect_vreg.gather [hbm4b:s1+s10], $0x80, v4, vm0, $0xb8;
	[tilespmem:$0x12000] =	vst v63  }
0x65: {  	_ = 	snop  }
0x66: {  	[tilespmem:s15], [sflag:$0x2] =	stream.indirect_vreg.gather [hbm4b:s7+s10], $0x80, v4, vm0, $0xb8;
	[tilespmem:$0x12000] =	vst v63  }
0x67: {  	s18 =	simm.s32 $0x9000  }
0x68: {  	[tilespmem:s18], [sflag:$0x2] =	stream.indirect_vreg.gather [hbm4b:s8+s10], $0x80, v4, vm0, $0xb8;
	[tilespmem:$0x12000] =	vst v63  }
0x69: {  	s19 =	simm.s32 $0x9800  }
0x6a: {  	[tilespmem:s19], [sflag:$0x2] =	stream.indirect_vreg.gather [hbm4b:s9+s10], $0x80, v4, vm0, $0xb8;
	[tilespmem:$0x12000] =	vst v63  }
0x6b: {  	v4 =	vld [tilespmem:s24+$0x20];
	_ =	sdelay $0x4  }
0x6c: {  	vm1 =	vne.s32 v4, $0x1  }
0x6d: {  	v4 =	vsel vm1, $0x1, v0  }
0x6e: {  	(xrf0) =	vadd.scan.msk.s32 $0xffff, v4  }
0x6f: {  	s20 =	spop (v2sf)  }
0x70: {  	s11 =	sadd.s32 s11, s20  }
0x71: {  	v4 =	vmov s11  }
0x72: {  	v4 =	vadd.s32 $0x1, v4  }
0x73: {  	v4 =	vbroadcast v4, $0x0  }
0x74: {  	v5, _, _ =	vpop (xrf0)  }
0x75: {  	v4 =	vadd.s32 v5, v4  }
0x76: {  	v4 =	vnsel vm1, $0x1, v4  }
0x77: {  	v62 =	vshll.u32 v4, $0x3  }
0x78: {  	v4 =	vand.u32 $0x7, v4;
	v6 =	vand.u32 $0xFFFFFFC0, v62  }
0x79: {  	v4 =	vor.u32 v4, v6  }
0x7a: {  	v6 =	vperm.xlane v4, v1;
	_ =	sdelay $0x1  }
0x7b: {  	v6 =	vadd.s32 v2, v6;
	_ =	sdelay $0x3  }
0x7c: {  	s19 =	simm.s32 $0xA000  }
0x7d: {  	[tilespmem:s19], [sflag:$0x3] =	stream.indirect_vreg.gather [hbm4b:s1+s10], $0x80, v6, vm0, $0xb8;
	[tilespmem:$0x12000] =	vst v63  }
0x7e: {  	s21 =	simm.s32 $0xA800;
	v4 =	vperm.xlane v4, v3  }
0x7f: {  	[tilespmem:s21], [sflag:$0x3] =	stream.indirect_vreg.gather [hbm4b:s7+s10], $0x80, v6, vm0, $0xb8;
	[tilespmem:$0x12000] =	vst v63  }
0x80: {  	s22 =	simm.s32 $0xB000;
	v4 =	vadd.s32 v2, v4  }
0x81: {  	[tilespmem:s22], [sflag:$0x3] =	stream.indirect_vreg.gather [hbm4b:s8+s10], $0x80, v6, vm0, $0xb8;
	[tilespmem:$0x12000] =	vst v63  }
0x82: {  	s23 =	simm.s32 $0xB800  }
0x83: {  	[tilespmem:s23], [sflag:$0x3] =	stream.indirect_vreg.gather [hbm4b:s9+s10], $0x80, v6, vm0, $0xb8;
	[tilespmem:$0x12000] =	vst v63  }
0x84: {  	s4 =	simm.s32 $0xC000  }
0x85: {  	(v2sf) =	vpush v5, $0xF;
	[tilespmem:s4], [sflag:$0x3] =	stream.indirect_vreg.gather [hbm4b:s1+s10], $0x80, v4, vm0, $0xb8;
	[tilespmem:$0x12000] =	vst v63  }
0x86: {  	s6 =	simm.s32 $0xC800  }
0x87: {  	[tilespmem:s6], [sflag:$0x3] =	stream.indirect_vreg.gather [hbm4b:s7+s10], $0x80, v4, vm0, $0xb8;
	[tilespmem:$0x12000] =	vst v63  }
0x88: {  	s12 =	simm.s32 $0xD000  }
0x89: {  	[tilespmem:s12], [sflag:$0x3] =	stream.indirect_vreg.gather [hbm4b:s8+s10], $0x80, v4, vm0, $0xb8;
	[tilespmem:$0x12000] =	vst v63  }
0x8a: {  	s13 =	simm.s32 $0xD800  }
0x8b: {  	[tilespmem:s13], [sflag:$0x3] =	stream.indirect_vreg.gather [hbm4b:s9+s10], $0x80, v4, vm0, $0xb8;
	[tilespmem:$0x12000] =	vst v63  }
0x8c: {  	v4 =	vld [tilespmem:s24+$0x30];
	_ =	sdelay $0x4  }
0x8d: {  	vm1 =	vne.s32 v4, $0x1  }
0x8e: {  	v4 =	vsel vm1, $0x1, v0  }
0x8f: {  	(xrf0) =	vadd.scan.msk.s32 $0xffff, v4  }
0x90: {  	s14 =	spop (v2sf)  }
0x91: {  	s11 =	sadd.s32 s11, s14  }
0x92: {  	v4 =	vmov s11  }
0x93: {  	v4 =	vadd.s32 $0x1, v4  }
0x94: {  	v4 =	vbroadcast v4, $0x0  }
0x95: {  	v5, _, _ =	vpop (xrf0)  }
0x96: {  	v4 =	vadd.s32 v5, v4  }
0x97: {  	v4 =	vnsel vm1, $0x1, v4  }
0x98: {  	v63 =	vshll.u32 v4, $0x3  }
0x99: {  	v4 =	vand.u32 $0x7, v4;
	v6 =	vand.u32 $0xFFFFFFC0, v63  }
0x9a: {  	v4 =	vor.u32 v4, v6  }
0x9b: {  	v6 =	vperm.xlane v4, v1  }
0x9c: {  	(v2sf) =	vpush v5, $0xF  }
0x9d: {  	v6 =	vadd.s32 v2, v6;
	_ =	sdelay $0x3  }
0x9e: {  	s21 =	simm.s32 $0xE000  }
0x9f: {  	[tilespmem:s21], [sflag:$0x4] =	stream.indirect_vreg.gather [hbm4b:s1+s10], $0x80, v6, vm0, $0xb8;
	[tilespmem:$0x12000] =	vst v63  }
0xa0: {  	s15 =	simm.s32 $0xE800;
	v4 =	vperm.xlane v4, v3  }
0xa1: {  	[tilespmem:s15], [sflag:$0x4] =	stream.indirect_vreg.gather [hbm4b:s7+s10], $0x80, v6, vm0, $0xb8;
	[tilespmem:$0x12000] =	vst v63  }
0xa2: {  	s16 =	simm.s32 $0xF000;
	v4 =	vadd.s32 v2, v4  }
0xa3: {  	[tilespmem:s16], [sflag:$0x4] =	stream.indirect_vreg.gather [hbm4b:s8+s10], $0x80, v6, vm0, $0xb8;
	[tilespmem:$0x12000] =	vst v63  }
0xa4: {  	s20 =	simm.s32 $0x10000;
	s18 =	simm.s32 $0xF800  }
0xa5: {  	[tilespmem:s18], [sflag:$0x4] =	stream.indirect_vreg.gather [hbm4b:s9+s10], $0x80, v6, vm0, $0xb8;
	[tilespmem:$0x12000] =	vst v63  }
0xa6: {  	s2 =	smov.u32 s24;
	s23 =	simm.s32 $0x11000;
	s4 =	simm.s32 $0x6000  }
0xa7: {  	[tilespmem:s20], [sflag:$0x4] =	stream.indirect_vreg.gather [hbm4b:s1+s10], $0x80, v4, vm0, $0xb8;
	[tilespmem:$0x12000] =	vst v63  }
0xa8: {  	s24 =	simm.s32 $0x2000;
	s22 =	spop (v2sf);
	s18 =	simm.s32 $0x10800  }
0xa9: {  	[tilespmem:s18], [sflag:$0x4] =	stream.indirect_vreg.gather [hbm4b:s7+s10], $0x80, v4, vm0, $0xb8;
	[tilespmem:$0x12000] =	vst v63  }
0xaa: {  	s15 =	simm.s32 $0x8000;
	s13 =	sadd.s32 s11, s22;
	s11 =	simm.s32 $0x70  }
0xab: {  	[tilespmem:s23], [sflag:$0x4] =	stream.indirect_vreg.gather [hbm4b:s8+s10], $0x80, v4, vm0, $0xb8;
	[tilespmem:$0x12000] =	vst v63  }
0xac: {  	s16 =	simm.s32 $0x7800;
	s22 =	simm.s32 $0x8800;
	s20 =	simm.s32 $0x11800  }
0xad: {  	[tilespmem:s20], [sflag:$0x4] =	stream.indirect_vreg.gather [hbm4b:s9+s10], $0x80, v4, vm0, $0xb8;
	[tilespmem:$0x12000] =	vst v63  }
.LBB2_6:
0xae: {  	_ =	swait.ge [sflag:s25], $0x4000  }
0xaf: {  	s12 =	rddreg [dreg:$0x4];
	[sflag:s25] =	ssyncset.done $0x0  }
0xb0: {  	[sflag:s25] =	ssyncadd.s32 $0xFFFFC000;
	s12 =	sadd.s32 s10, s12  }
0xb1: {  	[hbm4b:s12+s3] =	stream.linear.scatter [tilespmem:s24], [sflag:$0x5], $0x4000, $0x38;
	[tilespmem:$0x12000] =	vst v63  }
0xb2: {  	_ =	swait.ge [sflag:s26], $0x4000  }
0xb3: {  	[sflag:s26] =	ssyncset.done $0x0  }
0xb4: {  	s14 =	sadd.s32 $0x800, s12;
	[sflag:s26] =	ssyncadd.s32 $0xFFFFC000  }
0xb5: {  	[hbm4b:s14+s3] =	stream.linear.scatter [tilespmem:s4], [sflag:$0x6], $0x4000, $0x38;
	[tilespmem:$0x12000] =	vst v63  }
0xb6: {  	_ =	swait.ge [sflag:s28], $0x4000  }
0xb7: {  	[sflag:s28] =	ssyncset.done $0x0  }
0xb8: {  	s6 =	sadd.s32 $0x1000, s12;
	[sflag:s28] =	ssyncadd.s32 $0xFFFFC000  }
0xb9: {  	[hbm4b:s6+s3] =	stream.linear.scatter [tilespmem:s19], [sflag:$0x7], $0x4000, $0x38;
	[tilespmem:$0x12000] =	vst v63  }
0xba: {  	_ =	swait.ge [sflag:s29], $0x4000  }
0xbb: {  	[sflag:s29] =	ssyncset.done $0x0  }
0xbc: {  	s12 =	sadd.s32 $0x1800, s12;
	[sflag:s29] =	ssyncadd.s32 $0xFFFFC000  }
0xbd: {  	[hbm4b:s12+s3] =	stream.linear.scatter [tilespmem:s21], [sflag:$0x8], $0x4000, $0x38;
	[tilespmem:$0x12000] =	vst v63  }
0xbe: {  	s12 =	sadd.s32 s11, s2  }
0xbf: {  	s14 =	sadd.s32 $0xFFFFFFD0, s11;
	_ =	swait.ge [sflag:s30], $0x4000;
	s6 =	sadd.s32 $0xFFFFFFD0, s12  }
0xc0: {  	s14 =	sand.u32 $0x40, s14;
	[sflag:s30] =	ssyncset.done $0x0;
	s6 =	sand.u32 $0x3F80, s6  }
0xc1: {  	[sflag:s30] =	ssyncadd.s32 $0xFFFFC000;
	s6 =	sor.u32 s14, s6  }
0xc2: {  	v4 =	vld [tilespmem:s6+$0x0];
	_ =	sdelay $0x4  }
0xc3: {  	vm1 =	vne.s32 v4, $0x1  }
0xc4: {  	v4 =	vsel vm1, $0x1, v0  }
0xc5: {  	(xrf0) =	vadd.scan.msk.s32 $0xffff, v4;
	_ =	sdelay $0x2  }
0xc6: {  	v4 =	vmov s13  }
0xc7: {  	v4 =	vadd.s32 $0x1, v4  }
0xc8: {  	v4 =	vbroadcast v4, $0x0  }
0xc9: {  	v5, _, _ =	vpop (xrf0)  }
0xca: {  	v4 =	vadd.s32 v5, v4  }
0xcb: {  	v4 =	vnsel vm1, $0x1, v4  }
0xcc: {  	v6 =	vshll.u32 v4, $0x3  }
0xcd: {  	v4 =	vand.u32 $0x7, v4;
	v6 =	vand.u32 $0xFFFFFFC0, v6  }
0xce: {  	v4 =	vor.u32 v4, v6  }
0xcf: {  	v6 =	vperm.xlane v4, v1;
	_ =	sdelay $0x1  }
0xd0: {  	v6 =	vadd.s32 v2, v6;
	_ =	sdelay $0x2  }
0xd1: {  	(v2sf) =	vpush v5, $0xF;
	_ =	sdelay $0x1  }
0xd2: {  	[tilespmem:s24], [sflag:$0x1] =	stream.indirect_vreg.gather [hbm4b:s1+s3], $0x80, v6, vm0, $0xb8;
	[tilespmem:$0x12000] =	vst v63  }
0xd3: {  	v4 =	vperm.xlane v4, v3  }
0xd4: {  	[tilespmem:s17], [sflag:$0x1] =	stream.indirect_vreg.gather [hbm4b:s7+s3], $0x80, v6, vm0, $0xb8;
	[tilespmem:$0x12000] =	vst v63  }
0xd5: {  	s14 =	simm.s32 $0x3000;
	v4 =	vadd.s32 v2, v4  }
0xd6: {  	[tilespmem:s14], [sflag:$0x1] =	stream.indirect_vreg.gather [hbm4b:s8+s3], $0x80, v6, vm0, $0xb8;
	[tilespmem:$0x12000] =	vst v63  }
0xd7: {  	s17 =	simm.s32 $0x3800  }
0xd8: {  	[tilespmem:s17], [sflag:$0x1] =	stream.indirect_vreg.gather [hbm4b:s9+s3], $0x80, v6, vm0, $0xb8;
	[tilespmem:$0x12000] =	vst v63  }
0xd9: {  	s14 =	simm.s32 $0x4000  }
0xda: {  	[tilespmem:s14], [sflag:$0x1] =	stream.indirect_vreg.gather [hbm4b:s1+s3], $0x80, v4, vm0, $0xb8;
	[tilespmem:$0x12000] =	vst v63  }
0xdb: {  	s17 =	simm.s32 $0x4800  }
0xdc: {  	[tilespmem:s17], [sflag:$0x1] =	stream.indirect_vreg.gather [hbm4b:s7+s3], $0x80, v4, vm0, $0xb8;
	[tilespmem:$0x12000] =	vst v63  }
0xdd: {  	s14 =	simm.s32 $0x5000  }
0xde: {  	[tilespmem:s14], [sflag:$0x1] =	stream.indirect_vreg.gather [hbm4b:s8+s3], $0x80, v4, vm0, $0xb8;
	[tilespmem:$0x12000] =	vst v63  }
0xdf: {  	s6 =	spop (v2sf);
	s17 =	simm.s32 $0x5800  }
0xe0: {  	[tilespmem:s17], [sflag:$0x1] =	stream.indirect_vreg.gather [hbm4b:s9+s3], $0x80, v4, vm0, $0xb8;
	[tilespmem:$0x12000] =	vst v63  }
0xe1: {  	s14 =	sadd.s32 $0xFFFFFFE0, s11;
	s17 =	sadd.s32 $0xFFFFFFE0, s12;
	_ =	swait.ge [sflag:s31], $0x4000  }
0xe2: {  	s14 =	sand.u32 $0x50, s14;
	s17 =	sand.u32 $0x3F80, s17;
	[sflag:s31] =	ssyncset.done $0x0  }
0xe3: {  	s14 =	sor.u32 s14, s17;
	[sflag:s31] =	ssyncadd.s32 $0xFFFFC000  }
0xe4: {  	v4 =	vld [tilespmem:s14+$0x0];
	_ =	sdelay $0x4  }
0xe5: {  	vm1 =	vne.s32 v4, $0x1  }
0xe6: {  	v4 =	vsel vm1, $0x1, v0  }
0xe7: {  	(xrf0) =	vadd.scan.msk.s32 $0xffff, v4;
	_ =	sdelay $0x1  }
0xe8: {  	s6 =	sadd.s32 s13, s6  }
0xe9: {  	v4 =	vmov s6  }
0xea: {  	v4 =	vadd.s32 $0x1, v4  }
0xeb: {  	v4 =	vbroadcast v4, $0x0  }
0xec: {  	v5, _, _ =	vpop (xrf0)  }
0xed: {  	v4 =	vadd.s32 v5, v4  }
0xee: {  	v4 =	vnsel vm1, $0x1, v4  }
0xef: {  	v61 =	vshll.u32 v4, $0x3  }
0xf0: {  	v4 =	vand.u32 $0x7, v4;
	v6 =	vand.u32 $0xFFFFFFC0, v61  }
0xf1: {  	v4 =	vor.u32 v4, v6  }
0xf2: {  	v6 =	vperm.xlane v4, v1;
	_ =	sdelay $0x1  }
0xf3: {  	v6 =	vadd.s32 v2, v6;
	_ =	sdelay $0x2  }
0xf4: {  	(v2sf) =	vpush v5, $0xF;
	_ =	sdelay $0x1  }
0xf5: {  	[tilespmem:s4], [sflag:$0x2] =	stream.indirect_vreg.gather [hbm4b:s1+s3], $0x80, v6, vm0, $0xb8;
	[tilespmem:$0x12000] =	vst v63  }
0xf6: {  	s14 =	simm.s32 $0x6800;
	v4 =	vperm.xlane v4, v3  }
0xf7: {  	[tilespmem:s14], [sflag:$0x2] =	stream.indirect_vreg.gather [hbm4b:s7+s3], $0x80, v6, vm0, $0xb8;
	[tilespmem:$0x12000] =	vst v63  }
0xf8: {  	s17 =	simm.s32 $0x7000;
	v4 =	vadd.s32 v2, v4  }
0xf9: {  	[tilespmem:s17], [sflag:$0x2] =	stream.indirect_vreg.gather [hbm4b:s8+s3], $0x80, v6, vm0, $0xb8;
	[tilespmem:$0x12000] =	vst v63  }
0xfa: {  	_ = 	snop  }
0xfb: {  	[tilespmem:s16], [sflag:$0x2] =	stream.indirect_vreg.gather [hbm4b:s9+s3], $0x80, v6, vm0, $0xb8;
	[tilespmem:$0x12000] =	vst v63  }
0xfc: {  	_ = 	snop  }
0xfd: {  	[tilespmem:s15], [sflag:$0x2] =	stream.indirect_vreg.gather [hbm4b:s1+s3], $0x80, v4, vm0, $0xb8;
	[tilespmem:$0x12000] =	vst v63  }
0xfe: {  	_ = 	snop  }
0xff: {  	[tilespmem:s22], [sflag:$0x2] =	stream.indirect_vreg.gather [hbm4b:s7+s3], $0x80, v4, vm0, $0xb8;
	[tilespmem:$0x12000] =	vst v63  }
0x100: {  	s14 =	simm.s32 $0x9000  }
0x101: {  	[tilespmem:s14], [sflag:$0x2] =	stream.indirect_vreg.gather [hbm4b:s8+s3], $0x80, v4, vm0, $0xb8;
	[tilespmem:$0x12000] =	vst v63  }
0x102: {  	s13 =	spop (v2sf);
	s17 =	simm.s32 $0x9800  }
0x103: {  	[tilespmem:s17], [sflag:$0x2] =	stream.indirect_vreg.gather [hbm4b:s9+s3], $0x80, v4, vm0, $0xb8;
	[tilespmem:$0x12000] =	vst v63  }
0x104: {  	s14 =	sadd.s32 $0xFFFFFFF0, s11;
	s17 =	sadd.s32 $0xFFFFFFF0, s12;
	_ =	swait.ge [sflag:s0], $0x4000  }
0x105: {  	s14 =	sand.u32 $0x60, s14;
	s17 =	sand.u32 $0x3F80, s17;
	[sflag:s0] =	ssyncset.done $0x0  }
0x106: {  	s14 =	sor.u32 s14, s17;
	[sflag:s0] =	ssyncadd.s32 $0xFFFFC000  }
0x107: {  	v4 =	vld [tilespmem:s14+$0x0];
	_ =	sdelay $0x4  }
0x108: {  	vm1 =	vne.s32 v4, $0x1  }
0x109: {  	v4 =	vsel vm1, $0x1, v0  }
0x10a: {  	(xrf0) =	vadd.scan.msk.s32 $0xffff, v4;
	_ =	sdelay $0x1  }
0x10b: {  	s6 =	sadd.s32 s6, s13  }
0x10c: {  	v4 =	vmov s6  }
0x10d: {  	v4 =	vadd.s32 $0x1, v4  }
0x10e: {  	v4 =	vbroadcast v4, $0x0  }
0x10f: {  	v5, _, _ =	vpop (xrf0)  }
0x110: {  	v4 =	vadd.s32 v5, v4  }
0x111: {  	v4 =	vnsel vm1, $0x1, v4  }
0x112: {  	v62 =	vshll.u32 v4, $0x3  }
0x113: {  	v4 =	vand.u32 $0x7, v4;
	v6 =	vand.u32 $0xFFFFFFC0, v62  }
0x114: {  	v4 =	vor.u32 v4, v6  }
0x115: {  	v6 =	vperm.xlane v4, v1;
	_ =	sdelay $0x1  }
0x116: {  	v6 =	vadd.s32 v2, v6;
	_ =	sdelay $0x2  }
0x117: {  	(v2sf) =	vpush v5, $0xF;
	_ =	sdelay $0x1  }
0x118: {  	[tilespmem:s19], [sflag:$0x3] =	stream.indirect_vreg.gather [hbm4b:s1+s3], $0x80, v6, vm0, $0xb8;
	[tilespmem:$0x12000] =	vst v63  }
0x119: {  	s14 =	simm.s32 $0xA800;
	v4 =	vperm.xlane v4, v3  }
0x11a: {  	[tilespmem:s14], [sflag:$0x3] =	stream.indirect_vreg.gather [hbm4b:s7+s3], $0x80, v6, vm0, $0xb8;
	[tilespmem:$0x12000] =	vst v63  }
0x11b: {  	v4 =	vadd.s32 v2, v4;
	s14 =	simm.s32 $0xB000  }
0x11c: {  	[tilespmem:s14], [sflag:$0x3] =	stream.indirect_vreg.gather [hbm4b:s8+s3], $0x80, v6, vm0, $0xb8;
	[tilespmem:$0x12000] =	vst v63  }
0x11d: {  	s14 =	simm.s32 $0xB800  }
0x11e: {  	[tilespmem:s14], [sflag:$0x3] =	stream.indirect_vreg.gather [hbm4b:s9+s3], $0x80, v6, vm0, $0xb8;
	[tilespmem:$0x12000] =	vst v63  }
0x11f: {  	s14 =	simm.s32 $0xC000  }
0x120: {  	[tilespmem:s14], [sflag:$0x3] =	stream.indirect_vreg.gather [hbm4b:s1+s3], $0x80, v4, vm0, $0xb8;
	[tilespmem:$0x12000] =	vst v63  }
0x121: {  	s14 =	simm.s32 $0xC800  }
0x122: {  	[tilespmem:s14], [sflag:$0x3] =	stream.indirect_vreg.gather [hbm4b:s7+s3], $0x80, v4, vm0, $0xb8;
	[tilespmem:$0x12000] =	vst v63  }
0x123: {  	s14 =	simm.s32 $0xD000  }
0x124: {  	[tilespmem:s14], [sflag:$0x3] =	stream.indirect_vreg.gather [hbm4b:s8+s3], $0x80, v4, vm0, $0xb8;
	[tilespmem:$0x12000] =	vst v63  }
0x125: {  	s13 =	spop (v2sf);
	s14 =	simm.s32 $0xD800  }
0x126: {  	[tilespmem:s14], [sflag:$0x3] =	stream.indirect_vreg.gather [hbm4b:s9+s3], $0x80, v4, vm0, $0xb8;
	[tilespmem:$0x12000] =	vst v63  }
0x127: {  	_ =	swait.ge [sflag:s5], $0x4000  }
0x128: {  	s12 =	sand.u32 $0x3F80, s12;
	s14 =	sand.u32 $0x70, s11;
	[sflag:s5] =	ssyncset.done $0x0  }
0x129: {  	s12 =	sor.u32 s14, s12;
	[sflag:s5] =	ssyncadd.s32 $0xFFFFC000  }
0x12a: {  	v4 =	vld [tilespmem:s12+$0x0];
	_ =	sdelay $0x4  }
0x12b: {  	vm1 =	vne.s32 v4, $0x1  }
0x12c: {  	v4 =	vsel vm1, $0x1, v0  }
0x12d: {  	(xrf0) =	vadd.scan.msk.s32 $0xffff, v4;
	_ =	sdelay $0x1  }
0x12e: {  	s6 =	sadd.s32 s6, s13  }
0x12f: {  	v4 =	vmov s6  }
0x130: {  	v4 =	vadd.s32 $0x1, v4  }
0x131: {  	v4 =	vbroadcast v4, $0x0  }
0x132: {  	v5, _, _ =	vpop (xrf0)  }
0x133: {  	v4 =	vadd.s32 v5, v4  }
0x134: {  	v4 =	vnsel vm1, $0x1, v4  }
0x135: {  	v63 =	vshll.u32 v4, $0x3  }
0x136: {  	v4 =	vand.u32 $0x7, v4;
	v6 =	vand.u32 $0xFFFFFFC0, v63  }
0x137: {  	v4 =	vor.u32 v4, v6  }
0x138: {  	v6 =	vperm.xlane v4, v1;
	_ =	sdelay $0x1  }
0x139: {  	v6 =	vadd.s32 v2, v6;
	_ =	sdelay $0x1  }
0x13a: {  	(v2sf) =	vpush v5, $0xF;
	_ =	sdelay $0x2  }
0x13b: {  	[tilespmem:s21], [sflag:$0x4] =	stream.indirect_vreg.gather [hbm4b:s1+s3], $0x80, v6, vm0, $0xb8;
	[tilespmem:$0x12000] =	vst v63  }
0x13c: {  	s14 =	simm.s32 $0xE800;
	v4 =	vperm.xlane v4, v3  }
0x13d: {  	[tilespmem:s14], [sflag:$0x4] =	stream.indirect_vreg.gather [hbm4b:s7+s3], $0x80, v6, vm0, $0xb8;
	[tilespmem:$0x12000] =	vst v63  }
0x13e: {  	s13 =	simm.s32 $0xF000;
	v4 =	vadd.s32 v2, v4  }
0x13f: {  	[tilespmem:s13], [sflag:$0x4] =	stream.indirect_vreg.gather [hbm4b:s8+s3], $0x80, v6, vm0, $0xb8;
	[tilespmem:$0x12000] =	vst v63  }
0x140: {  	s14 =	simm.s32 $0xF800  }
0x141: {  	[tilespmem:s14], [sflag:$0x4] =	stream.indirect_vreg.gather [hbm4b:s9+s3], $0x80, v6, vm0, $0xb8;
	[tilespmem:$0x12000] =	vst v63  }
0x142: {  	s13 =	simm.s32 $0x10000  }
0x143: {  	[tilespmem:s13], [sflag:$0x4] =	stream.indirect_vreg.gather [hbm4b:s1+s3], $0x80, v4, vm0, $0xb8;
	[tilespmem:$0x12000] =	vst v63  }
0x144: {  	p1 =	sne.s32 s11, $0x3F0  }
0x145: {  	[tilespmem:s18], [sflag:$0x4] =	stream.indirect_vreg.gather [hbm4b:s7+s3], $0x80, v4, vm0, $0xb8;
	[tilespmem:$0x12000] =	vst v63  }
.Ltmp3:
0x146: {  	_ = 	snop;
	(pc) =	sbr.rel @p1 .LBB2_6-.Ltmp3, $4  }
0x147: {  	s10 =	sadd.s32 $0x2000, s10;
	s14 =	spop (v2sf)  }
0x148: {  	[tilespmem:s23], [sflag:$0x4] =	stream.indirect_vreg.gather [hbm4b:s8+s3], $0x80, v4, vm0, $0xb8;
	[tilespmem:$0x12000] =	vst v63  }
0x149: {  	s17 =	simm.s32 $0x2800;
	s11 =	sadd.s32 $0x40, s11;
	s13 =	sadd.s32 s6, s14  }
0x14a: {  	[tilespmem:s20], [sflag:$0x4] =	stream.indirect_vreg.gather [hbm4b:s9+s3], $0x80, v4, vm0, $0xb8;
	[tilespmem:$0x12000] =	vst v63  }
0x14b: {  	_ =	swait.ge [sflag:s25], $0x4000  }
0x14c: {  	[sflag:s25] =	ssyncset.done $0x0  }
0x14d: {  	s6 =	rddreg [dreg:$0x7];
	[sflag:s25] =	ssyncadd.s32 $0xFFFFC000  }
0x14e: {  	[hbm4b:s6+s3] =	stream.linear.scatter [tilespmem:s24], [sflag:$0x5], $0x4000, $0x38;
	[tilespmem:$0x12000] =	vst v63  }
0x14f: {  	_ =	swait.ge [sflag:s26], $0x4000  }
0x150: {  	[sflag:s26] =	ssyncset.done $0x0  }
0x151: {  	s20 =	rddreg [dreg:$0x8];
	[sflag:s26] =	ssyncadd.s32 $0xFFFFC000  }
0x152: {  	[hbm4b:s20+s3] =	stream.linear.scatter [tilespmem:s4], [sflag:$0x6], $0x4000, $0x38;
	[tilespmem:$0x12000] =	vst v63  }
0x153: {  	_ =	swait.ge [sflag:s28], $0x4000  }
0x154: {  	[sflag:s28] =	ssyncset.done $0x0  }
0x155: {  	s22 =	rddreg [dreg:$0x9];
	[sflag:s28] =	ssyncadd.s32 $0xFFFFC000  }
0x156: {  	[hbm4b:s22+s3] =	stream.linear.scatter [tilespmem:s19], [sflag:$0x7], $0x4000, $0x38;
	[tilespmem:$0x12000] =	vst v63  }
0x157: {  	_ =	swait.ge [sflag:s29], $0x4000  }
0x158: {  	[sflag:s29] =	ssyncset.done $0x0  }
0x159: {  	s23 =	rddreg [dreg:$0xa];
	[sflag:s29] =	ssyncadd.s32 $0xFFFFC000  }
0x15a: {  	[hbm4b:s23+s3] =	stream.linear.scatter [tilespmem:s21], [sflag:$0x8], $0x4000, $0x38;
	[tilespmem:$0x12000] =	vst v63  }
0x15b: {  	_ =	swait.ge [sflag:s30], $0x4000  }
0x15c: {  	[sflag:s30] =	ssyncset.done $0x0  }
0x15d: {  	[sflag:s30] =	ssyncadd.s32 $0xFFFFC000  }
0x15e: {  	_ =	swait.ge [sflag:s31], $0x4000  }
0x15f: {  	[sflag:s31] =	ssyncset.done $0x0  }
0x160: {  	[sflag:s31] =	ssyncadd.s32 $0xFFFFC000  }
0x161: {  	_ =	swait.ge [sflag:s0], $0x4000  }
0x162: {  	[sflag:s0] =	ssyncset.done $0x0  }
0x163: {  	[sflag:s0] =	ssyncadd.s32 $0xFFFFC000  }
0x164: {  	_ =	swait.ge [sflag:s5], $0x4000  }
0x165: {  	s10 =	rddreg [dreg:$0xc]  }
0x166: {  	s24 =	rddreg [dreg:$0xb];
	s10 =	sadd.s32 $0x1, s10  }
0x167: {  	s12 =	simm.s32 $0x3000;
	s13 =	simm.s32 $0x3800;
	p1 =	sne.s32 s10, s24  }
.Ltmp4:
0x168: {  	s14 =	simm.s32 $0x4000;
	s18 =	simm.s32 $0x4800;
	(pc) =	sbr.rel @p1 .LBB2_1-.Ltmp4, $4  }
0x169: {  	s16 =	simm.s32 $0x7800;
	s15 =	simm.s32 $0x8800;
	s20 =	simm.s32 $0x5800  }
0x16a: {  	s4 =	simm.s32 $0x6000;
	s19 =	simm.s32 $0x5000;
	s22 =	simm.s32 $0x7000  }
0x16b: {  	s21 =	simm.s32 $0x6800;
	s23 =	simm.s32 $0x2000;
	[sflag:s5] =	ssyncset.done $0x0  }
0x16c: {  	[sflag:s5] =	ssyncadd.s32 $0xFFFFC000;
	s24 =	smov.u32 s2;
	s2 =	simm.s32 $0x8000  }
0x16d: {  	_ =	sfence.sel $0x180000  }
0x16e: {  	[bflag:$0x0] =	sbarrier.arrive $0xFFFF  }
0x16f: {  	_ =	strace $0x90000047  }
0x170: {  	s0 =	stileid.u32;
	[bflag:$0x2] =	sbarrier.arrive $0xFFFF  }
0x171: {  	p0 =	sne.s32 s0, $0x0;
	s0 =	rddreg [dreg:$0x3]  }
0x172: {  	s0 =	sadd.s32 @!p0 $0x100000, s0  }
0x173: {  	[sflag:s0] =	ssyncadd.tile.s32 @!p0 $0x1;
	_ =	shalt  }
.Lfunc_end2:
_tile_overlayer_lowered:
.L_overlay_start_2:
0x174: {  	(tag) =	ssettag $0x2  }
0x175: {  	s0 =	rddreg [dreg:$0x0];
	s2 =	stileid.u32  }
0x176: {  	s1 =	rddreg [dreg:$0x1];
	p0 =	sne.s32 s2, $0x0  }
0x177: {  	s3 =	rddreg [dreg:$0x2];
	[bflag:$0x3] =	sbarrier.arrive $0xFFFF;
	s2 =	simm.s32 @!p0 $0x1C09  }
0x178: {  	[timem:s3], [sflag:s2] =	dma.local @!p0 [hbm:s0], s1  }
0x179: {  	s0 =	simm.s32 @!p0 $0x9  }
0x17a: {  	_ =	swait.ge @!p0 [sflag:s0], s1  }
0x17b: {  	s1 =	ssub.s32 @!p0 $0x0, s1;
	[sflag:s0] =	ssyncset.done @!p0 $0x0  }
0x17c: {  	[sflag:s0] =	ssyncadd.s32 @!p0 s1  }
0x17d: {  	[bflag:$0x3] =	sbarrier.arrive $0xFFFF  }
0x17e: {  	_ =	shalt  }

</sc_bundles>
